<compile_context>
chip_gen: v7x
topology: tpu7x:2x2x1
jax: 0.10.2.dev20260603
libtpu: 0.0.44.dev20260713+nightly
codegen_flags: <defaults>
</compile_context>

<pallas_src>
import functools

import jax
import jax.numpy as jnp
from jax import lax
from jax.experimental import pallas as pl
from jax.experimental.pallas import tpu as pltpu
from jax.experimental.pallas import tpu_sc as plsc

_NC, _NS, _L = 2, 16, 16
_NW = _NC * _NS
_B = 16384
_BPW = _B // _NW
_CHUNK = 128
_NCHUNK = _BPW // _CHUNK
_D = 32


def _body(u_idx_hbm, p_idx_hbm, n_idx_hbm, utab_hbm, itab_hbm,
          x_out, ue_out, pe_out, ne_out,
          u_idx, p_idx, n_idx, u_rows, p_rows, n_rows,
          u_t, p_t, n_t, x_v, gsem, wsem):
    wid = lax.axis_index("s") * _NC + lax.axis_index("c")
    base = wid * _BPW
    pltpu.sync_copy(u_idx_hbm.at[wid], u_idx)
    pltpu.sync_copy(p_idx_hbm.at[wid], p_idx)
    pltpu.sync_copy(n_idx_hbm.at[wid], n_idx)

    gathers = []
    for c in range(_NCHUNK):
        sl = pl.ds(c * _CHUNK, _CHUNK)
        gathers.append(pltpu.async_copy(utab_hbm.at[u_idx.at[c]], u_rows.at[sl], gsem))
        gathers.append(pltpu.async_copy(itab_hbm.at[p_idx.at[c]], p_rows.at[sl], gsem))
        gathers.append(pltpu.async_copy(itab_hbm.at[n_idx.at[c]], n_rows.at[sl], gsem))
    for g in gathers:
        g.wait()

    iot = lax.iota(jnp.int32, _L)

    def blk_body(blk, _):
        ridx = iot + blk * _L
        off = blk * _L

        def j_body(j, acc):
            col = jnp.zeros((_L,), jnp.int32) + j
            u = plsc.load_gather(u_rows, [ridx, col])
            p = plsc.load_gather(p_rows, [ridx, col])
            n = plsc.load_gather(n_rows, [ridx, col])
            u_t[j, pl.ds(off, _L)] = u
            p_t[j, pl.ds(off, _L)] = p
            n_t[j, pl.ds(off, _L)] = n
            return acc + u * (p - n)

        acc = lax.fori_loop(0, _D, j_body, jnp.zeros((_L,), jnp.float32),
                            unroll=4)
        x_v[pl.ds(off, _L)] = acc
        return 0

    lax.fori_loop(0, _BPW // _L, blk_body, 0)

    w_u = pltpu.async_copy(u_t, ue_out.at[:, pl.ds(base, _BPW)], wsem)
    w_p = pltpu.async_copy(p_t, pe_out.at[:, pl.ds(base, _BPW)], wsem)
    w_n = pltpu.async_copy(n_t, ne_out.at[:, pl.ds(base, _BPW)], wsem)
    pltpu.sync_copy(x_v, x_out.at[pl.ds(base, _BPW)])
    w_u.wait()
    w_p.wait()
    w_n.wait()


def kernel(user, pos_item, neg_item, user_table, item_table):
    u = user.astype(jnp.int32).reshape(_NW, _NCHUNK, _CHUNK)
    p = pos_item.astype(jnp.int32).reshape(_NW, _NCHUNK, _CHUNK)
    n = neg_item.astype(jnp.int32).reshape(_NW, _NCHUNK, _CHUNK)

    mesh = plsc.VectorSubcoreMesh(core_axis_name="c", subcore_axis_name="s",
                                  num_cores=_NC, num_subcores=_NS)
    f = pl.kernel(
        _body,
        out_type=(
            jax.ShapeDtypeStruct((_B,), jnp.float32),
            jax.ShapeDtypeStruct((_D, _B), jnp.float32),
            jax.ShapeDtypeStruct((_D, _B), jnp.float32),
            jax.ShapeDtypeStruct((_D, _B), jnp.float32),
        ),
        mesh=mesh,
        compiler_params=pltpu.CompilerParams(
            use_tc_tiling_on_sc=False, needs_layout_passes=False),
        scratch_types=[
            pltpu.VMEM((_NCHUNK, _CHUNK), jnp.int32),
            pltpu.VMEM((_NCHUNK, _CHUNK), jnp.int32),
            pltpu.VMEM((_NCHUNK, _CHUNK), jnp.int32),
            pltpu.VMEM((_BPW, _D), jnp.float32),
            pltpu.VMEM((_BPW, _D), jnp.float32),
            pltpu.VMEM((_BPW, _D), jnp.float32),
            pltpu.VMEM((_D, _BPW), jnp.float32),
            pltpu.VMEM((_D, _BPW), jnp.float32),
            pltpu.VMEM((_D, _BPW), jnp.float32),
            pltpu.VMEM((_BPW,), jnp.float32),
            pltpu.SemaphoreType.DMA,
            pltpu.SemaphoreType.DMA,
        ],
    )
    x, ue_t, pe_t, ne_t = f(u, p, n, user_table, item_table)
    return (x, ue_t.T, pe_t.T, ne_t.T)

# --- scband reference (transcript-rebuilt; emitter-appended) ---
"""Pipeline reference for scband-bprmodel-65034394796645 (READ-ONLY COPY).

The authoritative reference and input builder live on the scoring server;
editing this copy changes nothing except your own understanding.
"""

import jax, jax.numpy as jnp
import numpy as np

NUM_USERS = 1000000
NUM_ITEMS = 1000000
EMBED_DIM = 32
BATCH = 16384


def setup_inputs(seed: int = 0) -> dict:
    key = jax.random.key(seed)
    k0, k1, k2, k3, k4 = jax.random.split(key, 5)
    user = jax.random.randint(k0, (BATCH,), 0, NUM_USERS, dtype=jnp.int32).astype(jnp.int64)
    pos_item = jax.random.randint(k1, (BATCH,), 0, NUM_ITEMS, dtype=jnp.int32).astype(jnp.int64)
    neg_item = jax.random.randint(k2, (BATCH,), 0, NUM_ITEMS, dtype=jnp.int32).astype(jnp.int64)
    user_table = jax.random.normal(k3, (NUM_USERS, EMBED_DIM), dtype=jnp.float32) * 0.1
    item_table = jax.random.normal(k4, (NUM_ITEMS, EMBED_DIM), dtype=jnp.float32) * 0.1
    return {
        "user": user,
        "pos_item": pos_item,
        "neg_item": neg_item,
        "user_table": user_table,
        "item_table": item_table,
    }


def reference(user, pos_item, neg_item, user_table, item_table):
    # Faithful BPRModel.forward: three embedding gathers + rowwise dot products
    user_embedding = jnp.take(user_table, user, axis=0)
    pos_item_embedding = jnp.take(item_table, pos_item, axis=0)
    neg_item_embedding = jnp.take(item_table, neg_item, axis=0)
    pos_scores = jnp.sum(user_embedding * pos_item_embedding, axis=-1)
    neg_scores = jnp.sum(user_embedding * neg_item_embedding, axis=-1)
    x_uij = pos_scores - neg_scores
    return (x_uij, user_embedding, pos_item_embedding, neg_item_embedding)

if __name__ == "__main__":
    import jax
    _d = setup_inputs()
    print(jax.jit(kernel)(*tuple(_d.values())))

</pallas_src>

<mosaic_0001>
#map = affine_map<(d0, d1) -> (0, 0, 0)>
#map1 = affine_map<(d0, d1) -> (0, 0)>
#map2 = affine_map<(d0, d1) -> (0)>
module attributes {stable_mosaic.version = 14 : i64} {
  func.func @_body(%arg0: i32, %arg1: i32, %arg2: memref<32x4x128xi32, #tpu.memory_space<hbm>>, %arg3: memref<32x4x128xi32, #tpu.memory_space<hbm>>, %arg4: memref<32x4x128xi32, #tpu.memory_space<hbm>>, %arg5: memref<1000000x32xf32, #tpu.memory_space<hbm>>, %arg6: memref<1000000x32xf32, #tpu.memory_space<hbm>>, %arg7: memref<16384xf32, #tpu.memory_space<hbm>>, %arg8: memref<32x16384xf32, #tpu.memory_space<hbm>>, %arg9: memref<32x16384xf32, #tpu.memory_space<hbm>>, %arg10: memref<32x16384xf32, #tpu.memory_space<hbm>>, %arg11: memref<4x128xi32, #tpu.memory_space<vmem>>, %arg12: memref<4x128xi32, #tpu.memory_space<vmem>>, %arg13: memref<4x128xi32, #tpu.memory_space<vmem>>, %arg14: memref<512x32xf32, #tpu.memory_space<vmem>>, %arg15: memref<512x32xf32, #tpu.memory_space<vmem>>, %arg16: memref<512x32xf32, #tpu.memory_space<vmem>>, %arg17: memref<32x512xf32, #tpu.memory_space<vmem>>, %arg18: memref<32x512xf32, #tpu.memory_space<vmem>>, %arg19: memref<32x512xf32, #tpu.memory_space<vmem>>, %arg20: memref<512xf32, #tpu.memory_space<vmem>>, %arg21: memref<!tpu.dma_semaphore, #tpu.memory_space<semaphore_mem>>, %arg22: memref<!tpu.dma_semaphore, #tpu.memory_space<semaphore_mem>>) attributes {dimension_semantics = [#tpu.dimension_semantics<core_parallel>, #tpu.dimension_semantics<subcore_parallel>], iteration_bounds = array<i64: 2, 16>, scalar_prefetch = 0 : i64, scratch_operands = 12 : i64, tpu.core_type = #tpu.core_type<sc_vector_subcore>, window_params = [{transform_indices = #map}, {transform_indices = #map}, {transform_indices = #map}, {transform_indices = #map1}, {transform_indices = #map1}, {transform_indices = #map2}, {transform_indices = #map1}, {transform_indices = #map1}, {transform_indices = #map1}]} {
    %mul3A = arith.constant 2 : i32
    %mul3A_0 = arith.muli %arg1, %mul3A : i32
    %add3A = arith.addi %mul3A_0, %arg0 : i32
    %mul3A_1 = arith.constant 512 : i32
    %mul3A_2 = arith.muli %add3A, %mul3A_1 : i32
    "tpu.region"() ({
      %run_scoped3A = tpu.sem_alloc : memref<!tpu.dma_semaphore, #tpu.memory_space<semaphore_mem>>
      %dma_start3A_271 = arith.constant 0 : i32
      %dma_start3A_272 = arith.constant 0 : i32
      %dma_start3A_273 = tpu.memref_slice %arg2[%add3A, %dma_start3A_271, %dma_start3A_272] : memref<32x4x128xi32, #tpu.memory_space<hbm>> -> memref<1x4x128xi32, #tpu.memory_space<hbm>>
      %dma_start3A_274 = tpu.memref_squeeze %dma_start3A_273 : memref<1x4x128xi32, #tpu.memory_space<hbm>> -> memref<4x128xi32, #tpu.memory_space<hbm>>
      %dma_start3A_275 = arith.constant 0 : i32
      %dma_start3A_276 = arith.constant 0 : i32
      %dma_start3A_277 = tpu.memref_slice %arg2[%add3A, %dma_start3A_275, %dma_start3A_276] : memref<32x4x128xi32, #tpu.memory_space<hbm>> -> memref<1x4x128xi32, #tpu.memory_space<hbm>>
      %dma_start3A_278 = tpu.memref_squeeze %dma_start3A_277 : memref<1x4x128xi32, #tpu.memory_space<hbm>> -> memref<4x128xi32, #tpu.memory_space<hbm>>
      tpu.enqueue_dma source(%dma_start3A_278 : memref<4x128xi32, #tpu.memory_space<hbm>>) target(%arg11 : memref<4x128xi32, #tpu.memory_space<vmem>>) target_semaphore(%run_scoped3A : memref<!tpu.dma_semaphore, #tpu.memory_space<semaphore_mem>>)
      %dma_wait3A_279 = arith.constant 0 : i32
      %dma_wait3A_280 = arith.constant 0 : i32
      %dma_wait3A_281 = tpu.memref_slice %arg2[%add3A, %dma_wait3A_279, %dma_wait3A_280] : memref<32x4x128xi32, #tpu.memory_space<hbm>> -> memref<1x4x128xi32, #tpu.memory_space<hbm>>
      %dma_wait3A_282 = tpu.memref_squeeze %dma_wait3A_281 : memref<1x4x128xi32, #tpu.memory_space<hbm>> -> memref<4x128xi32, #tpu.memory_space<hbm>>
      %dma_wait3A_283 = arith.constant 0 : i32
      %dma_wait3A_284 = arith.constant 0 : i32
      %dma_wait3A_285 = tpu.memref_slice %arg2[%add3A, %dma_wait3A_283, %dma_wait3A_284] : memref<32x4x128xi32, #tpu.memory_space<hbm>> -> memref<1x4x128xi32, #tpu.memory_space<hbm>>
      %dma_wait3A_286 = tpu.memref_squeeze %dma_wait3A_285 : memref<1x4x128xi32, #tpu.memory_space<hbm>> -> memref<4x128xi32, #tpu.memory_space<hbm>>
      tpu.wait_dma2 semaphore(%run_scoped3A : memref<!tpu.dma_semaphore, #tpu.memory_space<semaphore_mem>>) src(%dma_wait3A_286 : memref<4x128xi32, #tpu.memory_space<hbm>>) dst(%arg11 : memref<4x128xi32, #tpu.memory_space<vmem>>)
      tpu.yield
    }) : () -> ()
    "tpu.region"() ({
      %run_scoped3A = tpu.sem_alloc : memref<!tpu.dma_semaphore, #tpu.memory_space<semaphore_mem>>
      %dma_start3A_271 = arith.constant 0 : i32
      %dma_start3A_272 = arith.constant 0 : i32
      %dma_start3A_273 = tpu.memref_slice %arg3[%add3A, %dma_start3A_271, %dma_start3A_272] : memref<32x4x128xi32, #tpu.memory_space<hbm>> -> memref<1x4x128xi32, #tpu.memory_space<hbm>>
      %dma_start3A_274 = tpu.memref_squeeze %dma_start3A_273 : memref<1x4x128xi32, #tpu.memory_space<hbm>> -> memref<4x128xi32, #tpu.memory_space<hbm>>
      %dma_start3A_275 = arith.constant 0 : i32
      %dma_start3A_276 = arith.constant 0 : i32
      %dma_start3A_277 = tpu.memref_slice %arg3[%add3A, %dma_start3A_275, %dma_start3A_276] : memref<32x4x128xi32, #tpu.memory_space<hbm>> -> memref<1x4x128xi32, #tpu.memory_space<hbm>>
      %dma_start3A_278 = tpu.memref_squeeze %dma_start3A_277 : memref<1x4x128xi32, #tpu.memory_space<hbm>> -> memref<4x128xi32, #tpu.memory_space<hbm>>
      tpu.enqueue_dma source(%dma_start3A_278 : memref<4x128xi32, #tpu.memory_space<hbm>>) target(%arg12 : memref<4x128xi32, #tpu.memory_space<vmem>>) target_semaphore(%run_scoped3A : memref<!tpu.dma_semaphore, #tpu.memory_space<semaphore_mem>>)
      %dma_wait3A_279 = arith.constant 0 : i32
      %dma_wait3A_280 = arith.constant 0 : i32
      %dma_wait3A_281 = tpu.memref_slice %arg3[%add3A, %dma_wait3A_279, %dma_wait3A_280] : memref<32x4x128xi32, #tpu.memory_space<hbm>> -> memref<1x4x128xi32, #tpu.memory_space<hbm>>
      %dma_wait3A_282 = tpu.memref_squeeze %dma_wait3A_281 : memref<1x4x128xi32, #tpu.memory_space<hbm>> -> memref<4x128xi32, #tpu.memory_space<hbm>>
      %dma_wait3A_283 = arith.constant 0 : i32
      %dma_wait3A_284 = arith.constant 0 : i32
      %dma_wait3A_285 = tpu.memref_slice %arg3[%add3A, %dma_wait3A_283, %dma_wait3A_284] : memref<32x4x128xi32, #tpu.memory_space<hbm>> -> memref<1x4x128xi32, #tpu.memory_space<hbm>>
      %dma_wait3A_286 = tpu.memref_squeeze %dma_wait3A_285 : memref<1x4x128xi32, #tpu.memory_space<hbm>> -> memref<4x128xi32, #tpu.memory_space<hbm>>
      tpu.wait_dma2 semaphore(%run_scoped3A : memref<!tpu.dma_semaphore, #tpu.memory_space<semaphore_mem>>) src(%dma_wait3A_286 : memref<4x128xi32, #tpu.memory_space<hbm>>) dst(%arg12 : memref<4x128xi32, #tpu.memory_space<vmem>>)
      tpu.yield
    }) : () -> ()
    "tpu.region"() ({
      %run_scoped3A = tpu.sem_alloc : memref<!tpu.dma_semaphore, #tpu.memory_space<semaphore_mem>>
      %dma_start3A_271 = arith.constant 0 : i32
      %dma_start3A_272 = arith.constant 0 : i32
      %dma_start3A_273 = tpu.memref_slice %arg4[%add3A, %dma_start3A_271, %dma_start3A_272] : memref<32x4x128xi32, #tpu.memory_space<hbm>> -> memref<1x4x128xi32, #tpu.memory_space<hbm>>
      %dma_start3A_274 = tpu.memref_squeeze %dma_start3A_273 : memref<1x4x128xi32, #tpu.memory_space<hbm>> -> memref<4x128xi32, #tpu.memory_space<hbm>>
      %dma_start3A_275 = arith.constant 0 : i32
      %dma_start3A_276 = arith.constant 0 : i32
      %dma_start3A_277 = tpu.memref_slice %arg4[%add3A, %dma_start3A_275, %dma_start3A_276] : memref<32x4x128xi32, #tpu.memory_space<hbm>> -> memref<1x4x128xi32, #tpu.memory_space<hbm>>
      %dma_start3A_278 = tpu.memref_squeeze %dma_start3A_277 : memref<1x4x128xi32, #tpu.memory_space<hbm>> -> memref<4x128xi32, #tpu.memory_space<hbm>>
      tpu.enqueue_dma source(%dma_start3A_278 : memref<4x128xi32, #tpu.memory_space<hbm>>) target(%arg13 : memref<4x128xi32, #tpu.memory_space<vmem>>) target_semaphore(%run_scoped3A : memref<!tpu.dma_semaphore, #tpu.memory_space<semaphore_mem>>)
      %dma_wait3A_279 = arith.constant 0 : i32
      %dma_wait3A_280 = arith.constant 0 : i32
      %dma_wait3A_281 = tpu.memref_slice %arg4[%add3A, %dma_wait3A_279, %dma_wait3A_280] : memref<32x4x128xi32, #tpu.memory_space<hbm>> -> memref<1x4x128xi32, #tpu.memory_space<hbm>>
      %dma_wait3A_282 = tpu.memref_squeeze %dma_wait3A_281 : memref<1x4x128xi32, #tpu.memory_space<hbm>> -> memref<4x128xi32, #tpu.memory_space<hbm>>
      %dma_wait3A_283 = arith.constant 0 : i32
      %dma_wait3A_284 = arith.constant 0 : i32
      %dma_wait3A_285 = tpu.memref_slice %arg4[%add3A, %dma_wait3A_283, %dma_wait3A_284] : memref<32x4x128xi32, #tpu.memory_space<hbm>> -> memref<1x4x128xi32, #tpu.memory_space<hbm>>
      %dma_wait3A_286 = tpu.memref_squeeze %dma_wait3A_285 : memref<1x4x128xi32, #tpu.memory_space<hbm>> -> memref<4x128xi32, #tpu.memory_space<hbm>>
      tpu.wait_dma2 semaphore(%run_scoped3A : memref<!tpu.dma_semaphore, #tpu.memory_space<semaphore_mem>>) src(%dma_wait3A_286 : memref<4x128xi32, #tpu.memory_space<hbm>>) dst(%arg13 : memref<4x128xi32, #tpu.memory_space<vmem>>)
      tpu.yield
    }) : () -> ()
    %dma_start3A = arith.constant 0 : i32
    %dma_start3A_3 = arith.constant 0 : i32
    %dma_start3A_4 = arith.constant 0 : i32
    %dma_start3A_5 = tpu.memref_slice %arg14[%dma_start3A_3, %dma_start3A_4] : memref<512x32xf32, #tpu.memory_space<vmem>> -> memref<128x32xf32, #tpu.memory_space<vmem>>
    %dma_start3A_6 = arith.constant 0 : i32
    %dma_start3A_7 = tpu.memref_slice %arg11[%dma_start3A, %dma_start3A_6] : memref<4x128xi32, #tpu.memory_space<vmem>> -> memref<1x128xi32, #tpu.memory_space<vmem>>
    %dma_start3A_8 = tpu.memref_squeeze %dma_start3A_7 : memref<1x128xi32, #tpu.memory_space<vmem>> -> memref<128xi32, #tpu.memory_space<vmem>>
    %dma_start3A_9 = arith.constant 0 : i32
    %dma_start3A_10 = arith.constant 0 : i32
    %dma_start3A_11 = tpu.memref_slice %arg5[%dma_start3A_9, %dma_start3A_10] : memref<1000000x32xf32, #tpu.memory_space<hbm>> -> memref<1000000x32xf32, #tpu.memory_space<hbm>>
    tpu.enqueue_indirect_dma source(%dma_start3A_11 : memref<1000000x32xf32, #tpu.memory_space<hbm>>) target(%dma_start3A_5 : memref<128x32xf32, #tpu.memory_space<vmem>>) offsets(%dma_start3A_8 : memref<128xi32, #tpu.memory_space<vmem>>) semaphore(%arg21 : memref<!tpu.dma_semaphore, #tpu.memory_space<semaphore_mem>>)
    %dma_start3A_12 = arith.constant 0 : i32
    %dma_start3A_13 = arith.constant 0 : i32
    %dma_start3A_14 = arith.constant 0 : i32
    %dma_start3A_15 = tpu.memref_slice %arg15[%dma_start3A_13, %dma_start3A_14] : memref<512x32xf32, #tpu.memory_space<vmem>> -> memref<128x32xf32, #tpu.memory_space<vmem>>
    %dma_start3A_16 = arith.constant 0 : i32
    %dma_start3A_17 = tpu.memref_slice %arg12[%dma_start3A_12, %dma_start3A_16] : memref<4x128xi32, #tpu.memory_space<vmem>> -> memref<1x128xi32, #tpu.memory_space<vmem>>
    %dma_start3A_18 = tpu.memref_squeeze %dma_start3A_17 : memref<1x128xi32, #tpu.memory_space<vmem>> -> memref<128xi32, #tpu.memory_space<vmem>>
    %dma_start3A_19 = arith.constant 0 : i32
    %dma_start3A_20 = arith.constant 0 : i32
    %dma_start3A_21 = tpu.memref_slice %arg6[%dma_start3A_19, %dma_start3A_20] : memref<1000000x32xf32, #tpu.memory_space<hbm>> -> memref<1000000x32xf32, #tpu.memory_space<hbm>>
    tpu.enqueue_indirect_dma source(%dma_start3A_21 : memref<1000000x32xf32, #tpu.memory_space<hbm>>) target(%dma_start3A_15 : memref<128x32xf32, #tpu.memory_space<vmem>>) offsets(%dma_start3A_18 : memref<128xi32, #tpu.memory_space<vmem>>) semaphore(%arg21 : memref<!tpu.dma_semaphore, #tpu.memory_space<semaphore_mem>>)
    %dma_start3A_22 = arith.constant 0 : i32
    %dma_start3A_23 = arith.constant 0 : i32
    %dma_start3A_24 = arith.constant 0 : i32
    %dma_start3A_25 = tpu.memref_slice %arg16[%dma_start3A_23, %dma_start3A_24] : memref<512x32xf32, #tpu.memory_space<vmem>> -> memref<128x32xf32, #tpu.memory_space<vmem>>
    %dma_start3A_26 = arith.constant 0 : i32
    %dma_start3A_27 = tpu.memref_slice %arg13[%dma_start3A_22, %dma_start3A_26] : memref<4x128xi32, #tpu.memory_space<vmem>> -> memref<1x128xi32, #tpu.memory_space<vmem>>
    %dma_start3A_28 = tpu.memref_squeeze %dma_start3A_27 : memref<1x128xi32, #tpu.memory_space<vmem>> -> memref<128xi32, #tpu.memory_space<vmem>>
    %dma_start3A_29 = arith.constant 0 : i32
    %dma_start3A_30 = arith.constant 0 : i32
    %dma_start3A_31 = tpu.memref_slice %arg6[%dma_start3A_29, %dma_start3A_30] : memref<1000000x32xf32, #tpu.memory_space<hbm>> -> memref<1000000x32xf32, #tpu.memory_space<hbm>>
    tpu.enqueue_indirect_dma source(%dma_start3A_31 : memref<1000000x32xf32, #tpu.memory_space<hbm>>) target(%dma_start3A_25 : memref<128x32xf32, #tpu.memory_space<vmem>>) offsets(%dma_start3A_28 : memref<128xi32, #tpu.memory_space<vmem>>) semaphore(%arg21 : memref<!tpu.dma_semaphore, #tpu.memory_space<semaphore_mem>>)
    %dma_start3A_32 = arith.constant 1 : i32
    %dma_start3A_33 = arith.constant 128 : i32
    %dma_start3A_34 = arith.constant 0 : i32
    %dma_start3A_35 = tpu.memref_slice %arg14[%dma_start3A_33, %dma_start3A_34] : memref<512x32xf32, #tpu.memory_space<vmem>> -> memref<128x32xf32, #tpu.memory_space<vmem>>
    %dma_start3A_36 = arith.constant 0 : i32
    %dma_start3A_37 = tpu.memref_slice %arg11[%dma_start3A_32, %dma_start3A_36] : memref<4x128xi32, #tpu.memory_space<vmem>> -> memref<1x128xi32, #tpu.memory_space<vmem>>
    %dma_start3A_38 = tpu.memref_squeeze %dma_start3A_37 : memref<1x128xi32, #tpu.memory_space<vmem>> -> memref<128xi32, #tpu.memory_space<vmem>>
    %dma_start3A_39 = arith.constant 0 : i32
    %dma_start3A_40 = arith.constant 0 : i32
    %dma_start3A_41 = tpu.memref_slice %arg5[%dma_start3A_39, %dma_start3A_40] : memref<1000000x32xf32, #tpu.memory_space<hbm>> -> memref<1000000x32xf32, #tpu.memory_space<hbm>>
    tpu.enqueue_indirect_dma source(%dma_start3A_41 : memref<1000000x32xf32, #tpu.memory_space<hbm>>) target(%dma_start3A_35 : memref<128x32xf32, #tpu.memory_space<vmem>>) offsets(%dma_start3A_38 : memref<128xi32, #tpu.memory_space<vmem>>) semaphore(%arg21 : memref<!tpu.dma_semaphore, #tpu.memory_space<semaphore_mem>>)
    %dma_start3A_42 = arith.constant 1 : i32
    %dma_start3A_43 = arith.constant 128 : i32
    %dma_start3A_44 = arith.constant 0 : i32
    %dma_start3A_45 = tpu.memref_slice %arg15[%dma_start3A_43, %dma_start3A_44] : memref<512x32xf32, #tpu.memory_space<vmem>> -> memref<128x32xf32, #tpu.memory_space<vmem>>
    %dma_start3A_46 = arith.constant 0 : i32
    %dma_start3A_47 = tpu.memref_slice %arg12[%dma_start3A_42, %dma_start3A_46] : memref<4x128xi32, #tpu.memory_space<vmem>> -> memref<1x128xi32, #tpu.memory_space<vmem>>
    %dma_start3A_48 = tpu.memref_squeeze %dma_start3A_47 : memref<1x128xi32, #tpu.memory_space<vmem>> -> memref<128xi32, #tpu.memory_space<vmem>>
    %dma_start3A_49 = arith.constant 0 : i32
    %dma_start3A_50 = arith.constant 0 : i32
    %dma_start3A_51 = tpu.memref_slice %arg6[%dma_start3A_49, %dma_start3A_50] : memref<1000000x32xf32, #tpu.memory_space<hbm>> -> memref<1000000x32xf32, #tpu.memory_space<hbm>>
    tpu.enqueue_indirect_dma source(%dma_start3A_51 : memref<1000000x32xf32, #tpu.memory_space<hbm>>) target(%dma_start3A_45 : memref<128x32xf32, #tpu.memory_space<vmem>>) offsets(%dma_start3A_48 : memref<128xi32, #tpu.memory_space<vmem>>) semaphore(%arg21 : memref<!tpu.dma_semaphore, #tpu.memory_space<semaphore_mem>>)
    %dma_start3A_52 = arith.constant 1 : i32
    %dma_start3A_53 = arith.constant 128 : i32
    %dma_start3A_54 = arith.constant 0 : i32
    %dma_start3A_55 = tpu.memref_slice %arg16[%dma_start3A_53, %dma_start3A_54] : memref<512x32xf32, #tpu.memory_space<vmem>> -> memref<128x32xf32, #tpu.memory_space<vmem>>
    %dma_start3A_56 = arith.constant 0 : i32
    %dma_start3A_57 = tpu.memref_slice %arg13[%dma_start3A_52, %dma_start3A_56] : memref<4x128xi32, #tpu.memory_space<vmem>> -> memref<1x128xi32, #tpu.memory_space<vmem>>
    %dma_start3A_58 = tpu.memref_squeeze %dma_start3A_57 : memref<1x128xi32, #tpu.memory_space<vmem>> -> memref<128xi32, #tpu.memory_space<vmem>>
    %dma_start3A_59 = arith.constant 0 : i32
    %dma_start3A_60 = arith.constant 0 : i32
    %dma_start3A_61 = tpu.memref_slice %arg6[%dma_start3A_59, %dma_start3A_60] : memref<1000000x32xf32, #tpu.memory_space<hbm>> -> memref<1000000x32xf32, #tpu.memory_space<hbm>>
    tpu.enqueue_indirect_dma source(%dma_start3A_61 : memref<1000000x32xf32, #tpu.memory_space<hbm>>) target(%dma_start3A_55 : memref<128x32xf32, #tpu.memory_space<vmem>>) offsets(%dma_start3A_58 : memref<128xi32, #tpu.memory_space<vmem>>) semaphore(%arg21 : memref<!tpu.dma_semaphore, #tpu.memory_space<semaphore_mem>>)
    %dma_start3A_62 = arith.constant 2 : i32
    %dma_start3A_63 = arith.constant 256 : i32
    %dma_start3A_64 = arith.constant 0 : i32
    %dma_start3A_65 = tpu.memref_slice %arg14[%dma_start3A_63, %dma_start3A_64] : memref<512x32xf32, #tpu.memory_space<vmem>> -> memref<128x32xf32, #tpu.memory_space<vmem>>
    %dma_start3A_66 = arith.constant 0 : i32
    %dma_start3A_67 = tpu.memref_slice %arg11[%dma_start3A_62, %dma_start3A_66] : memref<4x128xi32, #tpu.memory_space<vmem>> -> memref<1x128xi32, #tpu.memory_space<vmem>>
    %dma_start3A_68 = tpu.memref_squeeze %dma_start3A_67 : memref<1x128xi32, #tpu.memory_space<vmem>> -> memref<128xi32, #tpu.memory_space<vmem>>
    %dma_start3A_69 = arith.constant 0 : i32
    %dma_start3A_70 = arith.constant 0 : i32
    %dma_start3A_71 = tpu.memref_slice %arg5[%dma_start3A_69, %dma_start3A_70] : memref<1000000x32xf32, #tpu.memory_space<hbm>> -> memref<1000000x32xf32, #tpu.memory_space<hbm>>
    tpu.enqueue_indirect_dma source(%dma_start3A_71 : memref<1000000x32xf32, #tpu.memory_space<hbm>>) target(%dma_start3A_65 : memref<128x32xf32, #tpu.memory_space<vmem>>) offsets(%dma_start3A_68 : memref<128xi32, #tpu.memory_space<vmem>>) semaphore(%arg21 : memref<!tpu.dma_semaphore, #tpu.memory_space<semaphore_mem>>)
    %dma_start3A_72 = arith.constant 2 : i32
    %dma_start3A_73 = arith.constant 256 : i32
    %dma_start3A_74 = arith.constant 0 : i32
    %dma_start3A_75 = tpu.memref_slice %arg15[%dma_start3A_73, %dma_start3A_74] : memref<512x32xf32, #tpu.memory_space<vmem>> -> memref<128x32xf32, #tpu.memory_space<vmem>>
    %dma_start3A_76 = arith.constant 0 : i32
    %dma_start3A_77 = tpu.memref_slice %arg12[%dma_start3A_72, %dma_start3A_76] : memref<4x128xi32, #tpu.memory_space<vmem>> -> memref<1x128xi32, #tpu.memory_space<vmem>>
    %dma_start3A_78 = tpu.memref_squeeze %dma_start3A_77 : memref<1x128xi32, #tpu.memory_space<vmem>> -> memref<128xi32, #tpu.memory_space<vmem>>
    %dma_start3A_79 = arith.constant 0 : i32
    %dma_start3A_80 = arith.constant 0 : i32
    %dma_start3A_81 = tpu.memref_slice %arg6[%dma_start3A_79, %dma_start3A_80] : memref<1000000x32xf32, #tpu.memory_space<hbm>> -> memref<1000000x32xf32, #tpu.memory_space<hbm>>
    tpu.enqueue_indirect_dma source(%dma_start3A_81 : memref<1000000x32xf32, #tpu.memory_space<hbm>>) target(%dma_start3A_75 : memref<128x32xf32, #tpu.memory_space<vmem>>) offsets(%dma_start3A_78 : memref<128xi32, #tpu.memory_space<vmem>>) semaphore(%arg21 : memref<!tpu.dma_semaphore, #tpu.memory_space<semaphore_mem>>)
    %dma_start3A_82 = arith.constant 2 : i32
    %dma_start3A_83 = arith.constant 256 : i32
    %dma_start3A_84 = arith.constant 0 : i32
    %dma_start3A_85 = tpu.memref_slice %arg16[%dma_start3A_83, %dma_start3A_84] : memref<512x32xf32, #tpu.memory_space<vmem>> -> memref<128x32xf32, #tpu.memory_space<vmem>>
    %dma_start3A_86 = arith.constant 0 : i32
    %dma_start3A_87 = tpu.memref_slice %arg13[%dma_start3A_82, %dma_start3A_86] : memref<4x128xi32, #tpu.memory_space<vmem>> -> memref<1x128xi32, #tpu.memory_space<vmem>>
    %dma_start3A_88 = tpu.memref_squeeze %dma_start3A_87 : memref<1x128xi32, #tpu.memory_space<vmem>> -> memref<128xi32, #tpu.memory_space<vmem>>
    %dma_start3A_89 = arith.constant 0 : i32
    %dma_start3A_90 = arith.constant 0 : i32
    %dma_start3A_91 = tpu.memref_slice %arg6[%dma_start3A_89, %dma_start3A_90] : memref<1000000x32xf32, #tpu.memory_space<hbm>> -> memref<1000000x32xf32, #tpu.memory_space<hbm>>
    tpu.enqueue_indirect_dma source(%dma_start3A_91 : memref<1000000x32xf32, #tpu.memory_space<hbm>>) target(%dma_start3A_85 : memref<128x32xf32, #tpu.memory_space<vmem>>) offsets(%dma_start3A_88 : memref<128xi32, #tpu.memory_space<vmem>>) semaphore(%arg21 : memref<!tpu.dma_semaphore, #tpu.memory_space<semaphore_mem>>)
    %dma_start3A_92 = arith.constant 3 : i32
    %dma_start3A_93 = arith.constant 384 : i32
    %dma_start3A_94 = arith.constant 0 : i32
    %dma_start3A_95 = tpu.memref_slice %arg14[%dma_start3A_93, %dma_start3A_94] : memref<512x32xf32, #tpu.memory_space<vmem>> -> memref<128x32xf32, #tpu.memory_space<vmem>>
    %dma_start3A_96 = arith.constant 0 : i32
    %dma_start3A_97 = tpu.memref_slice %arg11[%dma_start3A_92, %dma_start3A_96] : memref<4x128xi32, #tpu.memory_space<vmem>> -> memref<1x128xi32, #tpu.memory_space<vmem>>
    %dma_start3A_98 = tpu.memref_squeeze %dma_start3A_97 : memref<1x128xi32, #tpu.memory_space<vmem>> -> memref<128xi32, #tpu.memory_space<vmem>>
    %dma_start3A_99 = arith.constant 0 : i32
    %dma_start3A_100 = arith.constant 0 : i32
    %dma_start3A_101 = tpu.memref_slice %arg5[%dma_start3A_99, %dma_start3A_100] : memref<1000000x32xf32, #tpu.memory_space<hbm>> -> memref<1000000x32xf32, #tpu.memory_space<hbm>>
    tpu.enqueue_indirect_dma source(%dma_start3A_101 : memref<1000000x32xf32, #tpu.memory_space<hbm>>) target(%dma_start3A_95 : memref<128x32xf32, #tpu.memory_space<vmem>>) offsets(%dma_start3A_98 : memref<128xi32, #tpu.memory_space<vmem>>) semaphore(%arg21 : memref<!tpu.dma_semaphore, #tpu.memory_space<semaphore_mem>>)
    %dma_start3A_102 = arith.constant 3 : i32
    %dma_start3A_103 = arith.constant 384 : i32
    %dma_start3A_104 = arith.constant 0 : i32
    %dma_start3A_105 = tpu.memref_slice %arg15[%dma_start3A_103, %dma_start3A_104] : memref<512x32xf32, #tpu.memory_space<vmem>> -> memref<128x32xf32, #tpu.memory_space<vmem>>
    %dma_start3A_106 = arith.constant 0 : i32
    %dma_start3A_107 = tpu.memref_slice %arg12[%dma_start3A_102, %dma_start3A_106] : memref<4x128xi32, #tpu.memory_space<vmem>> -> memref<1x128xi32, #tpu.memory_space<vmem>>
    %dma_start3A_108 = tpu.memref_squeeze %dma_start3A_107 : memref<1x128xi32, #tpu.memory_space<vmem>> -> memref<128xi32, #tpu.memory_space<vmem>>
    %dma_start3A_109 = arith.constant 0 : i32
    %dma_start3A_110 = arith.constant 0 : i32
    %dma_start3A_111 = tpu.memref_slice %arg6[%dma_start3A_109, %dma_start3A_110] : memref<1000000x32xf32, #tpu.memory_space<hbm>> -> memref<1000000x32xf32, #tpu.memory_space<hbm>>
    tpu.enqueue_indirect_dma source(%dma_start3A_111 : memref<1000000x32xf32, #tpu.memory_space<hbm>>) target(%dma_start3A_105 : memref<128x32xf32, #tpu.memory_space<vmem>>) offsets(%dma_start3A_108 : memref<128xi32, #tpu.memory_space<vmem>>) semaphore(%arg21 : memref<!tpu.dma_semaphore, #tpu.memory_space<semaphore_mem>>)
    %dma_start3A_112 = arith.constant 3 : i32
    %dma_start3A_113 = arith.constant 384 : i32
    %dma_start3A_114 = arith.constant 0 : i32
    %dma_start3A_115 = tpu.memref_slice %arg16[%dma_start3A_113, %dma_start3A_114] : memref<512x32xf32, #tpu.memory_space<vmem>> -> memref<128x32xf32, #tpu.memory_space<vmem>>
    %dma_start3A_116 = arith.constant 0 : i32
    %dma_start3A_117 = tpu.memref_slice %arg13[%dma_start3A_112, %dma_start3A_116] : memref<4x128xi32, #tpu.memory_space<vmem>> -> memref<1x128xi32, #tpu.memory_space<vmem>>
    %dma_start3A_118 = tpu.memref_squeeze %dma_start3A_117 : memref<1x128xi32, #tpu.memory_space<vmem>> -> memref<128xi32, #tpu.memory_space<vmem>>
    %dma_start3A_119 = arith.constant 0 : i32
    %dma_start3A_120 = arith.constant 0 : i32
    %dma_start3A_121 = tpu.memref_slice %arg6[%dma_start3A_119, %dma_start3A_120] : memref<1000000x32xf32, #tpu.memory_space<hbm>> -> memref<1000000x32xf32, #tpu.memory_space<hbm>>
    tpu.enqueue_indirect_dma source(%dma_start3A_121 : memref<1000000x32xf32, #tpu.memory_space<hbm>>) target(%dma_start3A_115 : memref<128x32xf32, #tpu.memory_space<vmem>>) offsets(%dma_start3A_118 : memref<128xi32, #tpu.memory_space<vmem>>) semaphore(%arg21 : memref<!tpu.dma_semaphore, #tpu.memory_space<semaphore_mem>>)
    %dma_wait3A = arith.constant 0 : i32
    %dma_wait3A_122 = arith.constant 0 : i32
    %dma_wait3A_123 = arith.constant 0 : i32
    %dma_wait3A_124 = tpu.memref_slice %arg14[%dma_wait3A_122, %dma_wait3A_123] : memref<512x32xf32, #tpu.memory_space<vmem>> -> memref<128x32xf32, #tpu.memory_space<vmem>>
    %dma_wait3A_125 = arith.constant 0 : i32
    %dma_wait3A_126 = tpu.memref_slice %arg11[%dma_wait3A, %dma_wait3A_125] : memref<4x128xi32, #tpu.memory_space<vmem>> -> memref<1x128xi32, #tpu.memory_space<vmem>>
    %dma_wait3A_127 = tpu.memref_squeeze %dma_wait3A_126 : memref<1x128xi32, #tpu.memory_space<vmem>> -> memref<128xi32, #tpu.memory_space<vmem>>
    %dma_wait3A_128 = arith.constant 0 : i32
    %dma_wait3A_129 = arith.constant 0 : i32
    %dma_wait3A_130 = tpu.memref_slice %arg5[%dma_wait3A_128, %dma_wait3A_129] : memref<1000000x32xf32, #tpu.memory_space<hbm>> -> memref<1000000x32xf32, #tpu.memory_space<hbm>>
    tpu.wait_indirect_dma semaphore(%arg21 : memref<!tpu.dma_semaphore, #tpu.memory_space<semaphore_mem>>) src(%dma_wait3A_130 : memref<1000000x32xf32, #tpu.memory_space<hbm>>) dst(%dma_wait3A_124 : memref<128x32xf32, #tpu.memory_space<vmem>>)
    %dma_wait3A_131 = arith.constant 0 : i32
    %dma_wait3A_132 = arith.constant 0 : i32
    %dma_wait3A_133 = arith.constant 0 : i32
    %dma_wait3A_134 = tpu.memref_slice %arg15[%dma_wait3A_132, %dma_wait3A_133] : memref<512x32xf32, #tpu.memory_space<vmem>> -> memref<128x32xf32, #tpu.memory_space<vmem>>
    %dma_wait3A_135 = arith.constant 0 : i32
    %dma_wait3A_136 = tpu.memref_slice %arg12[%dma_wait3A_131, %dma_wait3A_135] : memref<4x128xi32, #tpu.memory_space<vmem>> -> memref<1x128xi32, #tpu.memory_space<vmem>>
    %dma_wait3A_137 = tpu.memref_squeeze %dma_wait3A_136 : memref<1x128xi32, #tpu.memory_space<vmem>> -> memref<128xi32, #tpu.memory_space<vmem>>
    %dma_wait3A_138 = arith.constant 0 : i32
    %dma_wait3A_139 = arith.constant 0 : i32
    %dma_wait3A_140 = tpu.memref_slice %arg6[%dma_wait3A_138, %dma_wait3A_139] : memref<1000000x32xf32, #tpu.memory_space<hbm>> -> memref<1000000x32xf32, #tpu.memory_space<hbm>>
    tpu.wait_indirect_dma semaphore(%arg21 : memref<!tpu.dma_semaphore, #tpu.memory_space<semaphore_mem>>) src(%dma_wait3A_140 : memref<1000000x32xf32, #tpu.memory_space<hbm>>) dst(%dma_wait3A_134 : memref<128x32xf32, #tpu.memory_space<vmem>>)
    %dma_wait3A_141 = arith.constant 0 : i32
    %dma_wait3A_142 = arith.constant 0 : i32
    %dma_wait3A_143 = arith.constant 0 : i32
    %dma_wait3A_144 = tpu.memref_slice %arg16[%dma_wait3A_142, %dma_wait3A_143] : memref<512x32xf32, #tpu.memory_space<vmem>> -> memref<128x32xf32, #tpu.memory_space<vmem>>
    %dma_wait3A_145 = arith.constant 0 : i32
    %dma_wait3A_146 = tpu.memref_slice %arg13[%dma_wait3A_141, %dma_wait3A_145] : memref<4x128xi32, #tpu.memory_space<vmem>> -> memref<1x128xi32, #tpu.memory_space<vmem>>
    %dma_wait3A_147 = tpu.memref_squeeze %dma_wait3A_146 : memref<1x128xi32, #tpu.memory_space<vmem>> -> memref<128xi32, #tpu.memory_space<vmem>>
    %dma_wait3A_148 = arith.constant 0 : i32
    %dma_wait3A_149 = arith.constant 0 : i32
    %dma_wait3A_150 = tpu.memref_slice %arg6[%dma_wait3A_148, %dma_wait3A_149] : memref<1000000x32xf32, #tpu.memory_space<hbm>> -> memref<1000000x32xf32, #tpu.memory_space<hbm>>
    tpu.wait_indirect_dma semaphore(%arg21 : memref<!tpu.dma_semaphore, #tpu.memory_space<semaphore_mem>>) src(%dma_wait3A_150 : memref<1000000x32xf32, #tpu.memory_space<hbm>>) dst(%dma_wait3A_144 : memref<128x32xf32, #tpu.memory_space<vmem>>)
    %dma_wait3A_151 = arith.constant 1 : i32
    %dma_wait3A_152 = arith.constant 128 : i32
    %dma_wait3A_153 = arith.constant 0 : i32
    %dma_wait3A_154 = tpu.memref_slice %arg14[%dma_wait3A_152, %dma_wait3A_153] : memref<512x32xf32, #tpu.memory_space<vmem>> -> memref<128x32xf32, #tpu.memory_space<vmem>>
    %dma_wait3A_155 = arith.constant 0 : i32
    %dma_wait3A_156 = tpu.memref_slice %arg11[%dma_wait3A_151, %dma_wait3A_155] : memref<4x128xi32, #tpu.memory_space<vmem>> -> memref<1x128xi32, #tpu.memory_space<vmem>>
    %dma_wait3A_157 = tpu.memref_squeeze %dma_wait3A_156 : memref<1x128xi32, #tpu.memory_space<vmem>> -> memref<128xi32, #tpu.memory_space<vmem>>
    %dma_wait3A_158 = arith.constant 0 : i32
    %dma_wait3A_159 = arith.constant 0 : i32
    %dma_wait3A_160 = tpu.memref_slice %arg5[%dma_wait3A_158, %dma_wait3A_159] : memref<1000000x32xf32, #tpu.memory_space<hbm>> -> memref<1000000x32xf32, #tpu.memory_space<hbm>>
    tpu.wait_indirect_dma semaphore(%arg21 : memref<!tpu.dma_semaphore, #tpu.memory_space<semaphore_mem>>) src(%dma_wait3A_160 : memref<1000000x32xf32, #tpu.memory_space<hbm>>) dst(%dma_wait3A_154 : memref<128x32xf32, #tpu.memory_space<vmem>>)
    %dma_wait3A_161 = arith.constant 1 : i32
    %dma_wait3A_162 = arith.constant 128 : i32
    %dma_wait3A_163 = arith.constant 0 : i32
    %dma_wait3A_164 = tpu.memref_slice %arg15[%dma_wait3A_162, %dma_wait3A_163] : memref<512x32xf32, #tpu.memory_space<vmem>> -> memref<128x32xf32, #tpu.memory_space<vmem>>
    %dma_wait3A_165 = arith.constant 0 : i32
    %dma_wait3A_166 = tpu.memref_slice %arg12[%dma_wait3A_161, %dma_wait3A_165] : memref<4x128xi32, #tpu.memory_space<vmem>> -> memref<1x128xi32, #tpu.memory_space<vmem>>
    %dma_wait3A_167 = tpu.memref_squeeze %dma_wait3A_166 : memref<1x128xi32, #tpu.memory_space<vmem>> -> memref<128xi32, #tpu.memory_space<vmem>>
    %dma_wait3A_168 = arith.constant 0 : i32
    %dma_wait3A_169 = arith.constant 0 : i32
    %dma_wait3A_170 = tpu.memref_slice %arg6[%dma_wait3A_168, %dma_wait3A_169] : memref<1000000x32xf32, #tpu.memory_space<hbm>> -> memref<1000000x32xf32, #tpu.memory_space<hbm>>
    tpu.wait_indirect_dma semaphore(%arg21 : memref<!tpu.dma_semaphore, #tpu.memory_space<semaphore_mem>>) src(%dma_wait3A_170 : memref<1000000x32xf32, #tpu.memory_space<hbm>>) dst(%dma_wait3A_164 : memref<128x32xf32, #tpu.memory_space<vmem>>)
    %dma_wait3A_171 = arith.constant 1 : i32
    %dma_wait3A_172 = arith.constant 128 : i32
    %dma_wait3A_173 = arith.constant 0 : i32
    %dma_wait3A_174 = tpu.memref_slice %arg16[%dma_wait3A_172, %dma_wait3A_173] : memref<512x32xf32, #tpu.memory_space<vmem>> -> memref<128x32xf32, #tpu.memory_space<vmem>>
    %dma_wait3A_175 = arith.constant 0 : i32
    %dma_wait3A_176 = tpu.memref_slice %arg13[%dma_wait3A_171, %dma_wait3A_175] : memref<4x128xi32, #tpu.memory_space<vmem>> -> memref<1x128xi32, #tpu.memory_space<vmem>>
    %dma_wait3A_177 = tpu.memref_squeeze %dma_wait3A_176 : memref<1x128xi32, #tpu.memory_space<vmem>> -> memref<128xi32, #tpu.memory_space<vmem>>
    %dma_wait3A_178 = arith.constant 0 : i32
    %dma_wait3A_179 = arith.constant 0 : i32
    %dma_wait3A_180 = tpu.memref_slice %arg6[%dma_wait3A_178, %dma_wait3A_179] : memref<1000000x32xf32, #tpu.memory_space<hbm>> -> memref<1000000x32xf32, #tpu.memory_space<hbm>>
    tpu.wait_indirect_dma semaphore(%arg21 : memref<!tpu.dma_semaphore, #tpu.memory_space<semaphore_mem>>) src(%dma_wait3A_180 : memref<1000000x32xf32, #tpu.memory_space<hbm>>) dst(%dma_wait3A_174 : memref<128x32xf32, #tpu.memory_space<vmem>>)
    %dma_wait3A_181 = arith.constant 2 : i32
    %dma_wait3A_182 = arith.constant 256 : i32
    %dma_wait3A_183 = arith.constant 0 : i32
    %dma_wait3A_184 = tpu.memref_slice %arg14[%dma_wait3A_182, %dma_wait3A_183] : memref<512x32xf32, #tpu.memory_space<vmem>> -> memref<128x32xf32, #tpu.memory_space<vmem>>
    %dma_wait3A_185 = arith.constant 0 : i32
    %dma_wait3A_186 = tpu.memref_slice %arg11[%dma_wait3A_181, %dma_wait3A_185] : memref<4x128xi32, #tpu.memory_space<vmem>> -> memref<1x128xi32, #tpu.memory_space<vmem>>
    %dma_wait3A_187 = tpu.memref_squeeze %dma_wait3A_186 : memref<1x128xi32, #tpu.memory_space<vmem>> -> memref<128xi32, #tpu.memory_space<vmem>>
    %dma_wait3A_188 = arith.constant 0 : i32
    %dma_wait3A_189 = arith.constant 0 : i32
    %dma_wait3A_190 = tpu.memref_slice %arg5[%dma_wait3A_188, %dma_wait3A_189] : memref<1000000x32xf32, #tpu.memory_space<hbm>> -> memref<1000000x32xf32, #tpu.memory_space<hbm>>
    tpu.wait_indirect_dma semaphore(%arg21 : memref<!tpu.dma_semaphore, #tpu.memory_space<semaphore_mem>>) src(%dma_wait3A_190 : memref<1000000x32xf32, #tpu.memory_space<hbm>>) dst(%dma_wait3A_184 : memref<128x32xf32, #tpu.memory_space<vmem>>)
    %dma_wait3A_191 = arith.constant 2 : i32
    %dma_wait3A_192 = arith.constant 256 : i32
    %dma_wait3A_193 = arith.constant 0 : i32
    %dma_wait3A_194 = tpu.memref_slice %arg15[%dma_wait3A_192, %dma_wait3A_193] : memref<512x32xf32, #tpu.memory_space<vmem>> -> memref<128x32xf32, #tpu.memory_space<vmem>>
    %dma_wait3A_195 = arith.constant 0 : i32
    %dma_wait3A_196 = tpu.memref_slice %arg12[%dma_wait3A_191, %dma_wait3A_195] : memref<4x128xi32, #tpu.memory_space<vmem>> -> memref<1x128xi32, #tpu.memory_space<vmem>>
    %dma_wait3A_197 = tpu.memref_squeeze %dma_wait3A_196 : memref<1x128xi32, #tpu.memory_space<vmem>> -> memref<128xi32, #tpu.memory_space<vmem>>
    %dma_wait3A_198 = arith.constant 0 : i32
    %dma_wait3A_199 = arith.constant 0 : i32
    %dma_wait3A_200 = tpu.memref_slice %arg6[%dma_wait3A_198, %dma_wait3A_199] : memref<1000000x32xf32, #tpu.memory_space<hbm>> -> memref<1000000x32xf32, #tpu.memory_space<hbm>>
    tpu.wait_indirect_dma semaphore(%arg21 : memref<!tpu.dma_semaphore, #tpu.memory_space<semaphore_mem>>) src(%dma_wait3A_200 : memref<1000000x32xf32, #tpu.memory_space<hbm>>) dst(%dma_wait3A_194 : memref<128x32xf32, #tpu.memory_space<vmem>>)
    %dma_wait3A_201 = arith.constant 2 : i32
    %dma_wait3A_202 = arith.constant 256 : i32
    %dma_wait3A_203 = arith.constant 0 : i32
    %dma_wait3A_204 = tpu.memref_slice %arg16[%dma_wait3A_202, %dma_wait3A_203] : memref<512x32xf32, #tpu.memory_space<vmem>> -> memref<128x32xf32, #tpu.memory_space<vmem>>
    %dma_wait3A_205 = arith.constant 0 : i32
    %dma_wait3A_206 = tpu.memref_slice %arg13[%dma_wait3A_201, %dma_wait3A_205] : memref<4x128xi32, #tpu.memory_space<vmem>> -> memref<1x128xi32, #tpu.memory_space<vmem>>
    %dma_wait3A_207 = tpu.memref_squeeze %dma_wait3A_206 : memref<1x128xi32, #tpu.memory_space<vmem>> -> memref<128xi32, #tpu.memory_space<vmem>>
    %dma_wait3A_208 = arith.constant 0 : i32
    %dma_wait3A_209 = arith.constant 0 : i32
    %dma_wait3A_210 = tpu.memref_slice %arg6[%dma_wait3A_208, %dma_wait3A_209] : memref<1000000x32xf32, #tpu.memory_space<hbm>> -> memref<1000000x32xf32, #tpu.memory_space<hbm>>
    tpu.wait_indirect_dma semaphore(%arg21 : memref<!tpu.dma_semaphore, #tpu.memory_space<semaphore_mem>>) src(%dma_wait3A_210 : memref<1000000x32xf32, #tpu.memory_space<hbm>>) dst(%dma_wait3A_204 : memref<128x32xf32, #tpu.memory_space<vmem>>)
    %dma_wait3A_211 = arith.constant 3 : i32
    %dma_wait3A_212 = arith.constant 384 : i32
    %dma_wait3A_213 = arith.constant 0 : i32
    %dma_wait3A_214 = tpu.memref_slice %arg14[%dma_wait3A_212, %dma_wait3A_213] : memref<512x32xf32, #tpu.memory_space<vmem>> -> memref<128x32xf32, #tpu.memory_space<vmem>>
    %dma_wait3A_215 = arith.constant 0 : i32
    %dma_wait3A_216 = tpu.memref_slice %arg11[%dma_wait3A_211, %dma_wait3A_215] : memref<4x128xi32, #tpu.memory_space<vmem>> -> memref<1x128xi32, #tpu.memory_space<vmem>>
    %dma_wait3A_217 = tpu.memref_squeeze %dma_wait3A_216 : memref<1x128xi32, #tpu.memory_space<vmem>> -> memref<128xi32, #tpu.memory_space<vmem>>
    %dma_wait3A_218 = arith.constant 0 : i32
    %dma_wait3A_219 = arith.constant 0 : i32
    %dma_wait3A_220 = tpu.memref_slice %arg5[%dma_wait3A_218, %dma_wait3A_219] : memref<1000000x32xf32, #tpu.memory_space<hbm>> -> memref<1000000x32xf32, #tpu.memory_space<hbm>>
    tpu.wait_indirect_dma semaphore(%arg21 : memref<!tpu.dma_semaphore, #tpu.memory_space<semaphore_mem>>) src(%dma_wait3A_220 : memref<1000000x32xf32, #tpu.memory_space<hbm>>) dst(%dma_wait3A_214 : memref<128x32xf32, #tpu.memory_space<vmem>>)
    %dma_wait3A_221 = arith.constant 3 : i32
    %dma_wait3A_222 = arith.constant 384 : i32
    %dma_wait3A_223 = arith.constant 0 : i32
    %dma_wait3A_224 = tpu.memref_slice %arg15[%dma_wait3A_222, %dma_wait3A_223] : memref<512x32xf32, #tpu.memory_space<vmem>> -> memref<128x32xf32, #tpu.memory_space<vmem>>
    %dma_wait3A_225 = arith.constant 0 : i32
    %dma_wait3A_226 = tpu.memref_slice %arg12[%dma_wait3A_221, %dma_wait3A_225] : memref<4x128xi32, #tpu.memory_space<vmem>> -> memref<1x128xi32, #tpu.memory_space<vmem>>
    %dma_wait3A_227 = tpu.memref_squeeze %dma_wait3A_226 : memref<1x128xi32, #tpu.memory_space<vmem>> -> memref<128xi32, #tpu.memory_space<vmem>>
    %dma_wait3A_228 = arith.constant 0 : i32
    %dma_wait3A_229 = arith.constant 0 : i32
    %dma_wait3A_230 = tpu.memref_slice %arg6[%dma_wait3A_228, %dma_wait3A_229] : memref<1000000x32xf32, #tpu.memory_space<hbm>> -> memref<1000000x32xf32, #tpu.memory_space<hbm>>
    tpu.wait_indirect_dma semaphore(%arg21 : memref<!tpu.dma_semaphore, #tpu.memory_space<semaphore_mem>>) src(%dma_wait3A_230 : memref<1000000x32xf32, #tpu.memory_space<hbm>>) dst(%dma_wait3A_224 : memref<128x32xf32, #tpu.memory_space<vmem>>)
    %dma_wait3A_231 = arith.constant 3 : i32
    %dma_wait3A_232 = arith.constant 384 : i32
    %dma_wait3A_233 = arith.constant 0 : i32
    %dma_wait3A_234 = tpu.memref_slice %arg16[%dma_wait3A_232, %dma_wait3A_233] : memref<512x32xf32, #tpu.memory_space<vmem>> -> memref<128x32xf32, #tpu.memory_space<vmem>>
    %dma_wait3A_235 = arith.constant 0 : i32
    %dma_wait3A_236 = tpu.memref_slice %arg13[%dma_wait3A_231, %dma_wait3A_235] : memref<4x128xi32, #tpu.memory_space<vmem>> -> memref<1x128xi32, #tpu.memory_space<vmem>>
    %dma_wait3A_237 = tpu.memref_squeeze %dma_wait3A_236 : memref<1x128xi32, #tpu.memory_space<vmem>> -> memref<128xi32, #tpu.memory_space<vmem>>
    %dma_wait3A_238 = arith.constant 0 : i32
    %dma_wait3A_239 = arith.constant 0 : i32
    %dma_wait3A_240 = tpu.memref_slice %arg6[%dma_wait3A_238, %dma_wait3A_239] : memref<1000000x32xf32, #tpu.memory_space<hbm>> -> memref<1000000x32xf32, #tpu.memory_space<hbm>>
    tpu.wait_indirect_dma semaphore(%arg21 : memref<!tpu.dma_semaphore, #tpu.memory_space<semaphore_mem>>) src(%dma_wait3A_240 : memref<1000000x32xf32, #tpu.memory_space<hbm>>) dst(%dma_wait3A_234 : memref<128x32xf32, #tpu.memory_space<vmem>>)
    %iota3A = tpu.iota {dimensions = array<i32: 0>} : vector<16xi32>
    %scan3A = arith.constant 0 : i32
    %scan3A_241 = arith.constant 0 : i32
    %scan3A_242 = arith.constant 32 : i32
    %scan3A_243 = arith.addi %scan3A_241, %scan3A_242 : i32
    %scan3A_244 = arith.constant 1 : i32
    %scan3A_245 = scf.for %scan3A_271 = %scan3A_241 to %scan3A_243 step %scan3A_244 iter_args(%scan3A_272 = %scan3A) -> (i32)  : i32 {
      %mul3A_273 = arith.constant 16 : i32
      %mul3A_274 = arith.muli %scan3A_271, %mul3A_273 : i32
      %add3A_275 = vector.broadcast %mul3A_274 : i32 to vector<16xi32>
      %add3A_276 = arith.addi %iota3A, %add3A_275 : vector<16xi32>
      %mul3A_277 = arith.constant 16 : i32
      %mul3A_278 = arith.muli %scan3A_271, %mul3A_277 : i32
      %broadcast_in_dim3A = arith.constant 0.000000e+00 : f32
      %broadcast_in_dim3A_279 = vector.broadcast %broadcast_in_dim3A : f32 to vector<16xf32>
      %scan3A_280 = arith.constant 0 : i32
      %scan3A_281 = arith.constant 32 : i32
      %scan3A_282 = arith.addi %scan3A_280, %scan3A_281 : i32
      %scan3A_283 = arith.constant 4 : i32
      %scan3A_284 = scf.for %scan3A_288 = %scan3A_280 to %scan3A_282 step %scan3A_283 iter_args(%scan3A_289 = %broadcast_in_dim3A_279) -> (vector<16xf32>)  : i32 {
        %broadcast_in_dim3A_290 = arith.constant 0 : i32
        %broadcast_in_dim3A_291 = vector.broadcast %broadcast_in_dim3A_290 : i32 to vector<16xi32>
        %add3A_292 = vector.broadcast %scan3A_288 : i32 to vector<16xi32>
        %add3A_293 = arith.addi %broadcast_in_dim3A_291, %add3A_292 : vector<16xi32>
        %gather3A = tpu.vector_load_idx %arg14[%add3A_276, %add3A_293] : memref<512x32xf32, #tpu.memory_space<vmem>>[vector<16xi32>, vector<16xi32>], vector<16xf32>,
        %gather3A_294 = tpu.vector_load_idx %arg15[%add3A_276, %add3A_293] : memref<512x32xf32, #tpu.memory_space<vmem>>[vector<16xi32>, vector<16xi32>], vector<16xf32>,
        %gather3A_295 = tpu.vector_load_idx %arg16[%add3A_276, %add3A_293] : memref<512x32xf32, #tpu.memory_space<vmem>>[vector<16xi32>, vector<16xi32>], vector<16xf32>,
        %swap3A_296 = arith.index_cast %scan3A_288 : i32 to index
        %swap3A_297 = arith.index_cast %mul3A_278 : i32 to index
        %swap3A_298 = tpu.vector_load %arg17[%swap3A_296, %swap3A_297] {strides = array<i32>} : memref<32x512xf32, #tpu.memory_space<vmem>>, vector<16xf32>,
        tpu.vector_store %arg17[%swap3A_296, %swap3A_297], %gather3A {strides = array<i32>} : memref<32x512xf32, #tpu.memory_space<vmem>>, vector<16xf32>,
        %swap3A_299 = arith.index_cast %scan3A_288 : i32 to index
        %swap3A_300 = arith.index_cast %mul3A_278 : i32 to index
        %swap3A_301 = tpu.vector_load %arg18[%swap3A_299, %swap3A_300] {strides = array<i32>} : memref<32x512xf32, #tpu.memory_space<vmem>>, vector<16xf32>,
        tpu.vector_store %arg18[%swap3A_299, %swap3A_300], %gather3A_294 {strides = array<i32>} : memref<32x512xf32, #tpu.memory_space<vmem>>, vector<16xf32>,
        %swap3A_302 = arith.index_cast %scan3A_288 : i32 to index
        %swap3A_303 = arith.index_cast %mul3A_278 : i32 to index
        %swap3A_304 = tpu.vector_load %arg19[%swap3A_302, %swap3A_303] {strides = array<i32>} : memref<32x512xf32, #tpu.memory_space<vmem>>, vector<16xf32>,
        tpu.vector_store %arg19[%swap3A_302, %swap3A_303], %gather3A_295 {strides = array<i32>} : memref<32x512xf32, #tpu.memory_space<vmem>>, vector<16xf32>,
        %sub3A = arith.subf %gather3A_294, %gather3A_295 : vector<16xf32>
        %mul3A_305 = arith.mulf %gather3A, %sub3A : vector<16xf32>
        %add3A_306 = arith.addf %scan3A_289, %mul3A_305 : vector<16xf32>
        %scan3A_307 = arith.constant 1 : i32
        %scan3A_308 = arith.addi %scan3A_288, %scan3A_307 : i32
        %broadcast_in_dim3A_309 = arith.constant 0 : i32
        %broadcast_in_dim3A_310 = vector.broadcast %broadcast_in_dim3A_309 : i32 to vector<16xi32>
        %add3A_311 = vector.broadcast %scan3A_308 : i32 to vector<16xi32>
        %add3A_312 = arith.addi %broadcast_in_dim3A_310, %add3A_311 : vector<16xi32>
        %gather3A_313 = tpu.vector_load_idx %arg14[%add3A_276, %add3A_312] : memref<512x32xf32, #tpu.memory_space<vmem>>[vector<16xi32>, vector<16xi32>], vector<16xf32>,
        %gather3A_314 = tpu.vector_load_idx %arg15[%add3A_276, %add3A_312] : memref<512x32xf32, #tpu.memory_space<vmem>>[vector<16xi32>, vector<16xi32>], vector<16xf32>,
        %gather3A_315 = tpu.vector_load_idx %arg16[%add3A_276, %add3A_312] : memref<512x32xf32, #tpu.memory_space<vmem>>[vector<16xi32>, vector<16xi32>], vector<16xf32>,
        %swap3A_316 = arith.index_cast %scan3A_308 : i32 to index
        %swap3A_317 = arith.index_cast %mul3A_278 : i32 to index
        %swap3A_318 = tpu.vector_load %arg17[%swap3A_316, %swap3A_317] {strides = array<i32>} : memref<32x512xf32, #tpu.memory_space<vmem>>, vector<16xf32>,
        tpu.vector_store %arg17[%swap3A_316, %swap3A_317], %gather3A_313 {strides = array<i32>} : memref<32x512xf32, #tpu.memory_space<vmem>>, vector<16xf32>,
        %swap3A_319 = arith.index_cast %scan3A_308 : i32 to index
        %swap3A_320 = arith.index_cast %mul3A_278 : i32 to index
        %swap3A_321 = tpu.vector_load %arg18[%swap3A_319, %swap3A_320] {strides = array<i32>} : memref<32x512xf32, #tpu.memory_space<vmem>>, vector<16xf32>,
        tpu.vector_store %arg18[%swap3A_319, %swap3A_320], %gather3A_314 {strides = array<i32>} : memref<32x512xf32, #tpu.memory_space<vmem>>, vector<16xf32>,
        %swap3A_322 = arith.index_cast %scan3A_308 : i32 to index
        %swap3A_323 = arith.index_cast %mul3A_278 : i32 to index
        %swap3A_324 = tpu.vector_load %arg19[%swap3A_322, %swap3A_323] {strides = array<i32>} : memref<32x512xf32, #tpu.memory_space<vmem>>, vector<16xf32>,
        tpu.vector_store %arg19[%swap3A_322, %swap3A_323], %gather3A_315 {strides = array<i32>} : memref<32x512xf32, #tpu.memory_space<vmem>>, vector<16xf32>,
        %sub3A_325 = arith.subf %gather3A_314, %gather3A_315 : vector<16xf32>
        %mul3A_326 = arith.mulf %gather3A_313, %sub3A_325 : vector<16xf32>
        %add3A_327 = arith.addf %add3A_306, %mul3A_326 : vector<16xf32>
        %scan3A_328 = arith.constant 2 : i32
        %scan3A_329 = arith.addi %scan3A_288, %scan3A_328 : i32
        %broadcast_in_dim3A_330 = arith.constant 0 : i32
        %broadcast_in_dim3A_331 = vector.broadcast %broadcast_in_dim3A_330 : i32 to vector<16xi32>
        %add3A_332 = vector.broadcast %scan3A_329 : i32 to vector<16xi32>
        %add3A_333 = arith.addi %broadcast_in_dim3A_331, %add3A_332 : vector<16xi32>
        %gather3A_334 = tpu.vector_load_idx %arg14[%add3A_276, %add3A_333] : memref<512x32xf32, #tpu.memory_space<vmem>>[vector<16xi32>, vector<16xi32>], vector<16xf32>,
        %gather3A_335 = tpu.vector_load_idx %arg15[%add3A_276, %add3A_333] : memref<512x32xf32, #tpu.memory_space<vmem>>[vector<16xi32>, vector<16xi32>], vector<16xf32>,
        %gather3A_336 = tpu.vector_load_idx %arg16[%add3A_276, %add3A_333] : memref<512x32xf32, #tpu.memory_space<vmem>>[vector<16xi32>, vector<16xi32>], vector<16xf32>,
        %swap3A_337 = arith.index_cast %scan3A_329 : i32 to index
        %swap3A_338 = arith.index_cast %mul3A_278 : i32 to index
        %swap3A_339 = tpu.vector_load %arg17[%swap3A_337, %swap3A_338] {strides = array<i32>} : memref<32x512xf32, #tpu.memory_space<vmem>>, vector<16xf32>,
        tpu.vector_store %arg17[%swap3A_337, %swap3A_338], %gather3A_334 {strides = array<i32>} : memref<32x512xf32, #tpu.memory_space<vmem>>, vector<16xf32>,
        %swap3A_340 = arith.index_cast %scan3A_329 : i32 to index
        %swap3A_341 = arith.index_cast %mul3A_278 : i32 to index
        %swap3A_342 = tpu.vector_load %arg18[%swap3A_340, %swap3A_341] {strides = array<i32>} : memref<32x512xf32, #tpu.memory_space<vmem>>, vector<16xf32>,
        tpu.vector_store %arg18[%swap3A_340, %swap3A_341], %gather3A_335 {strides = array<i32>} : memref<32x512xf32, #tpu.memory_space<vmem>>, vector<16xf32>,
        %swap3A_343 = arith.index_cast %scan3A_329 : i32 to index
        %swap3A_344 = arith.index_cast %mul3A_278 : i32 to index
        %swap3A_345 = tpu.vector_load %arg19[%swap3A_343, %swap3A_344] {strides = array<i32>} : memref<32x512xf32, #tpu.memory_space<vmem>>, vector<16xf32>,
        tpu.vector_store %arg19[%swap3A_343, %swap3A_344], %gather3A_336 {strides = array<i32>} : memref<32x512xf32, #tpu.memory_space<vmem>>, vector<16xf32>,
        %sub3A_346 = arith.subf %gather3A_335, %gather3A_336 : vector<16xf32>
        %mul3A_347 = arith.mulf %gather3A_334, %sub3A_346 : vector<16xf32>
        %add3A_348 = arith.addf %add3A_327, %mul3A_347 : vector<16xf32>
        %scan3A_349 = arith.constant 3 : i32
        %scan3A_350 = arith.addi %scan3A_288, %scan3A_349 : i32
        %broadcast_in_dim3A_351 = arith.constant 0 : i32
        %broadcast_in_dim3A_352 = vector.broadcast %broadcast_in_dim3A_351 : i32 to vector<16xi32>
        %add3A_353 = vector.broadcast %scan3A_350 : i32 to vector<16xi32>
        %add3A_354 = arith.addi %broadcast_in_dim3A_352, %add3A_353 : vector<16xi32>
        %gather3A_355 = tpu.vector_load_idx %arg14[%add3A_276, %add3A_354] : memref<512x32xf32, #tpu.memory_space<vmem>>[vector<16xi32>, vector<16xi32>], vector<16xf32>,
        %gather3A_356 = tpu.vector_load_idx %arg15[%add3A_276, %add3A_354] : memref<512x32xf32, #tpu.memory_space<vmem>>[vector<16xi32>, vector<16xi32>], vector<16xf32>,
        %gather3A_357 = tpu.vector_load_idx %arg16[%add3A_276, %add3A_354] : memref<512x32xf32, #tpu.memory_space<vmem>>[vector<16xi32>, vector<16xi32>], vector<16xf32>,
        %swap3A_358 = arith.index_cast %scan3A_350 : i32 to index
        %swap3A_359 = arith.index_cast %mul3A_278 : i32 to index
        %swap3A_360 = tpu.vector_load %arg17[%swap3A_358, %swap3A_359] {strides = array<i32>} : memref<32x512xf32, #tpu.memory_space<vmem>>, vector<16xf32>,
        tpu.vector_store %arg17[%swap3A_358, %swap3A_359], %gather3A_355 {strides = array<i32>} : memref<32x512xf32, #tpu.memory_space<vmem>>, vector<16xf32>,
        %swap3A_361 = arith.index_cast %scan3A_350 : i32 to index
        %swap3A_362 = arith.index_cast %mul3A_278 : i32 to index
        %swap3A_363 = tpu.vector_load %arg18[%swap3A_361, %swap3A_362] {strides = array<i32>} : memref<32x512xf32, #tpu.memory_space<vmem>>, vector<16xf32>,
        tpu.vector_store %arg18[%swap3A_361, %swap3A_362], %gather3A_356 {strides = array<i32>} : memref<32x512xf32, #tpu.memory_space<vmem>>, vector<16xf32>,
        %swap3A_364 = arith.index_cast %scan3A_350 : i32 to index
        %swap3A_365 = arith.index_cast %mul3A_278 : i32 to index
        %swap3A_366 = tpu.vector_load %arg19[%swap3A_364, %swap3A_365] {strides = array<i32>} : memref<32x512xf32, #tpu.memory_space<vmem>>, vector<16xf32>,
        tpu.vector_store %arg19[%swap3A_364, %swap3A_365], %gather3A_357 {strides = array<i32>} : memref<32x512xf32, #tpu.memory_space<vmem>>, vector<16xf32>,
        %sub3A_367 = arith.subf %gather3A_356, %gather3A_357 : vector<16xf32>
        %mul3A_368 = arith.mulf %gather3A_355, %sub3A_367 : vector<16xf32>
        %add3A_369 = arith.addf %add3A_348, %mul3A_368 : vector<16xf32>
        scf.yield %add3A_369 : vector<16xf32>
      }
      %scan3A_285 = arith.constant 32 : i32
      %swap3A = arith.index_cast %mul3A_278 : i32 to index
      %swap3A_286 = tpu.vector_load %arg20[%swap3A] {strides = array<i32>} : memref<512xf32, #tpu.memory_space<vmem>>, vector<16xf32>,
      tpu.vector_store %arg20[%swap3A], %scan3A_284 {strides = array<i32>} : memref<512xf32, #tpu.memory_space<vmem>>, vector<16xf32>,
      %scan3A_287 = arith.constant 0 : i32
      scf.yield %scan3A_287 : i32
    }
    %scan3A_246 = arith.constant 32 : i32
    %dma_start3A_247 = arith.constant 0 : i32
    %dma_start3A_248 = tpu.memref_slice %arg8[%dma_start3A_247, %mul3A_2] : memref<32x16384xf32, #tpu.memory_space<hbm>> -> memref<32x512xf32, #tpu.memory_space<hbm>>
    %dma_start3A_249 = arith.constant 0 : i32
    %dma_start3A_250 = tpu.memref_slice %arg8[%dma_start3A_249, %mul3A_2] : memref<32x16384xf32, #tpu.memory_space<hbm>> -> memref<32x512xf32, #tpu.memory_space<hbm>>
    tpu.enqueue_dma source(%arg17 : memref<32x512xf32, #tpu.memory_space<vmem>>) target(%dma_start3A_250 : memref<32x512xf32, #tpu.memory_space<hbm>>) target_semaphore(%arg22 : memref<!tpu.dma_semaphore, #tpu.memory_space<semaphore_mem>>)
    %dma_start3A_251 = arith.constant 0 : i32
    %dma_start3A_252 = tpu.memref_slice %arg9[%dma_start3A_251, %mul3A_2] : memref<32x16384xf32, #tpu.memory_space<hbm>> -> memref<32x512xf32, #tpu.memory_space<hbm>>
    %dma_start3A_253 = arith.constant 0 : i32
    %dma_start3A_254 = tpu.memref_slice %arg9[%dma_start3A_253, %mul3A_2] : memref<32x16384xf32, #tpu.memory_space<hbm>> -> memref<32x512xf32, #tpu.memory_space<hbm>>
    tpu.enqueue_dma source(%arg18 : memref<32x512xf32, #tpu.memory_space<vmem>>) target(%dma_start3A_254 : memref<32x512xf32, #tpu.memory_space<hbm>>) target_semaphore(%arg22 : memref<!tpu.dma_semaphore, #tpu.memory_space<semaphore_mem>>)
    %dma_start3A_255 = arith.constant 0 : i32
    %dma_start3A_256 = tpu.memref_slice %arg10[%dma_start3A_255, %mul3A_2] : memref<32x16384xf32, #tpu.memory_space<hbm>> -> memref<32x512xf32, #tpu.memory_space<hbm>>
    %dma_start3A_257 = arith.constant 0 : i32
    %dma_start3A_258 = tpu.memref_slice %arg10[%dma_start3A_257, %mul3A_2] : memref<32x16384xf32, #tpu.memory_space<hbm>> -> memref<32x512xf32, #tpu.memory_space<hbm>>
    tpu.enqueue_dma source(%arg19 : memref<32x512xf32, #tpu.memory_space<vmem>>) target(%dma_start3A_258 : memref<32x512xf32, #tpu.memory_space<hbm>>) target_semaphore(%arg22 : memref<!tpu.dma_semaphore, #tpu.memory_space<semaphore_mem>>)
    "tpu.region"() ({
      %run_scoped3A = tpu.sem_alloc : memref<!tpu.dma_semaphore, #tpu.memory_space<semaphore_mem>>
      %dma_start3A_271 = tpu.memref_slice %arg7[%mul3A_2] : memref<16384xf32, #tpu.memory_space<hbm>> -> memref<512xf32, #tpu.memory_space<hbm>>
      %dma_start3A_272 = tpu.memref_slice %arg7[%mul3A_2] : memref<16384xf32, #tpu.memory_space<hbm>> -> memref<512xf32, #tpu.memory_space<hbm>>
      tpu.enqueue_dma source(%arg20 : memref<512xf32, #tpu.memory_space<vmem>>) target(%dma_start3A_272 : memref<512xf32, #tpu.memory_space<hbm>>) target_semaphore(%run_scoped3A : memref<!tpu.dma_semaphore, #tpu.memory_space<semaphore_mem>>)
      %dma_wait3A_273 = tpu.memref_slice %arg7[%mul3A_2] : memref<16384xf32, #tpu.memory_space<hbm>> -> memref<512xf32, #tpu.memory_space<hbm>>
      %dma_wait3A_274 = tpu.memref_slice %arg7[%mul3A_2] : memref<16384xf32, #tpu.memory_space<hbm>> -> memref<512xf32, #tpu.memory_space<hbm>>
      tpu.wait_dma2 semaphore(%run_scoped3A : memref<!tpu.dma_semaphore, #tpu.memory_space<semaphore_mem>>) src(%arg20 : memref<512xf32, #tpu.memory_space<vmem>>) dst(%dma_wait3A_274 : memref<512xf32, #tpu.memory_space<hbm>>)
      tpu.yield
    }) : () -> ()
    %dma_wait3A_259 = arith.constant 0 : i32
    %dma_wait3A_260 = tpu.memref_slice %arg8[%dma_wait3A_259, %mul3A_2] : memref<32x16384xf32, #tpu.memory_space<hbm>> -> memref<32x512xf32, #tpu.memory_space<hbm>>
    %dma_wait3A_261 = arith.constant 0 : i32
    %dma_wait3A_262 = tpu.memref_slice %arg8[%dma_wait3A_261, %mul3A_2] : memref<32x16384xf32, #tpu.memory_space<hbm>> -> memref<32x512xf32, #tpu.memory_space<hbm>>
    tpu.wait_dma2 semaphore(%arg22 : memref<!tpu.dma_semaphore, #tpu.memory_space<semaphore_mem>>) src(%arg17 : memref<32x512xf32, #tpu.memory_space<vmem>>) dst(%dma_wait3A_262 : memref<32x512xf32, #tpu.memory_space<hbm>>)
    %dma_wait3A_263 = arith.constant 0 : i32
    %dma_wait3A_264 = tpu.memref_slice %arg9[%dma_wait3A_263, %mul3A_2] : memref<32x16384xf32, #tpu.memory_space<hbm>> -> memref<32x512xf32, #tpu.memory_space<hbm>>
    %dma_wait3A_265 = arith.constant 0 : i32
    %dma_wait3A_266 = tpu.memref_slice %arg9[%dma_wait3A_265, %mul3A_2] : memref<32x16384xf32, #tpu.memory_space<hbm>> -> memref<32x512xf32, #tpu.memory_space<hbm>>
    tpu.wait_dma2 semaphore(%arg22 : memref<!tpu.dma_semaphore, #tpu.memory_space<semaphore_mem>>) src(%arg18 : memref<32x512xf32, #tpu.memory_space<vmem>>) dst(%dma_wait3A_266 : memref<32x512xf32, #tpu.memory_space<hbm>>)
    %dma_wait3A_267 = arith.constant 0 : i32
    %dma_wait3A_268 = tpu.memref_slice %arg10[%dma_wait3A_267, %mul3A_2] : memref<32x16384xf32, #tpu.memory_space<hbm>> -> memref<32x512xf32, #tpu.memory_space<hbm>>
    %dma_wait3A_269 = arith.constant 0 : i32
    %dma_wait3A_270 = tpu.memref_slice %arg10[%dma_wait3A_269, %mul3A_2] : memref<32x16384xf32, #tpu.memory_space<hbm>> -> memref<32x512xf32, #tpu.memory_space<hbm>>
    tpu.wait_dma2 semaphore(%arg22 : memref<!tpu.dma_semaphore, #tpu.memory_space<semaphore_mem>>) src(%arg19 : memref<32x512xf32, #tpu.memory_space<vmem>>) dst(%dma_wait3A_270 : memref<32x512xf32, #tpu.memory_space<hbm>>)
    return
  }
}

</mosaic_0001>

<sc_bundles>
// kernel: kernel.3.cloned.1.call-start
scs
__scs_entry_jumppad:
0x0: {  	(pc) =	sbr.rel $0x88, $3  }
0x1: {  	(tag) =	ssettag $0x0;
	lr =	simm.s32 $0x1  }
0x2: {  	[smem:$0x3F9C] =	sst lr;
	_ =	strace $0xD0000000  }
0x3: {  	_ = 	snop  }
0x4: {  	_ = 	snop  }
0x5: {  	_ = 	snop  }
0x6: {  	_ = 	snop  }
0x7: {  	_ = 	snop  }
__scs_overlays_trampoline_lowered:
0x8: {  	[smem:$0x3FAB] =	sst s0  }
0x9: {  	[smem:$0x3FAC] =	sst s1  }
0xa: {  	[smem:$0x3FAD] =	sst s2  }
0xb: {  	[smem:$0x3FAE] =	sst s3  }
0xc: {  	[smem:$0x3FAF] =	sst s4  }
0xd: {  	[smem:$0x3FB0] =	sst s5  }
0xe: {  	[smem:$0x3FB1] =	sst s6  }
0xf: {  	[smem:$0x3FB2] =	sst s7  }
0x10: {  	[smem:$0x3FB3] =	sst s8  }
0x11: {  	[smem:$0x3FB4] =	sst s9;
	s0 =	simm.s32 @!p0 $0x0  }
0x12: {  	s1 =	sld [smem:$0x3F9A];
	s0 =	simm.s32 @p0 $0x1  }
0x13: {  	[smem:$0x3FB5] =	sst s0;
	s0 =	simm.s32 @!p1 $0x0  }
0x14: {  	s2 =	sld [smem:$0x3F99];
	s0 =	simm.s32 @p1 $0x1  }
0x15: {  	[smem:$0x3FB6] =	sst s0;
	s0 =	simm.s32 @!p2 $0x0  }
0x16: {  	s3 =	sld [smem:$0x3FDB];
	s0 =	simm.s32 @p2 $0x1  }
0x17: {  	s4 =	simm.s32 $0x1BF5;
	[smem:$0x3FB8] =	sst s0  }
0x18: {  	s0 =	sld [smem:$0x3F9B];
	_ =	swait.ge [sflag:s4], $0x0  }
0x19: {  	s7 =	sld [smem:$0x3F9C]  }
0x1a: {  	s8 =	sadd.s32 $0xFFFFE003, lr  }
0x1b: {  	s9 =	sadd.s32 $0xFFFFFEF7, lr;
	s5 =	simm.s32 $0xFFFFFFFF;
	p2 =	slt.u32 s8, $0xFFFFF086  }
0x1c: {  	p1 =	slt.u32 s9, $0xF7A;
	s5 =	simm.s32 @!p2 $0x0  }
0x1d: {  	s5 =	simm.s32 @p1 $0x1;
	p0 =	seq.s32 s7, s2  }
0x1e: {  	s7 =	smul.u32 @!p0 $0xF7A, s2;
	p2 =	seq.s32 @!p0 s5, $0x0  }
0x1f: {  	s9 =	smul.u32 $0xF7A, s1;
	s8 =	simm.s32 @!p0 $0x1BF5;
	p2 =	por !p2, p0  }
0x20: {  	[sflag:s8] =	ssyncset.s32 @!p0 $0xFFFFF086;
	s6 =	sadd.s32 @!p0 s3, s7;
	s7 =	simm.s32 @!p0 $0x108  }
0x21: {  	s3 =	sadd.s32 s3, s9;
	s6 =	sadd.s32 @!p0 $0x88, s6;
	s7 =	simm.s32 @p2 $0x1082  }
0x22: {  	[simem:s7], [sflag:s8] =	dma.local @!p0 [hbm:s6], $0xF7A  }
0x23: {  	s9 =	sor.u32 $0xD0000000, s2;
	s6 =	simm.s32 $0x108;
	_ =	swait.ge @!p0 [sflag:s8], $0x0  }
0x24: {  	s3 =	sadd.s32 $0x88, s3;
	s6 =	simm.s32 @!p1 $0x1082;
	[sflag:s4] =	ssyncset.s32 $0xFFFFF086  }
0x25: {  	[simem:s6], [sflag:s4] =	dma.local [hbm:s3], $0xF7A  }
0x26: {  	[smem:$0x3F9C] =	sst s1;
	(tag) =	ssettag s2;
	_ =	strace s9  }
0x27: {  	s1 =	sld [smem:$0x3FAC]  }
0x28: {  	s2 =	sld [smem:$0x3FAD]  }
0x29: {  	s4 =	sld [smem:$0x3FAF]  }
0x2a: {  	p0 =	seq.s32 s5, $0x0;
	s5 =	sld [smem:$0x3FB0]  }
0x2b: {  	s6 =	sld [smem:$0x3FB1]  }
0x2c: {  	s7 =	sld [smem:$0x3FB2]  }
0x2d: {  	s3 =	simm.s32 $0x108;
	s8 =	sld [smem:$0x3FB3]  }
0x2e: {  	s3 =	simm.s32 @!p0 $0x1082;
	s9 =	sld [smem:$0x3FB4]  }
0x2f: {  	lr =	sadd.s32 s0, s3;
	s0 =	sld [smem:$0x3FAB]  }
0x30: {  	s3 =	sld [smem:$0x3FAE]  }
0x31: {  	[smem:$0x3FB7] =	sst s10  }
0x32: {  	s10 =	sld [smem:$0x3FB5];
	_ =	sdelay $0x3  }
0x33: {  	p0 =	seq.s32 s10, $0x1;
	s10 =	sld [smem:$0x3FB7];
	_ =	sdelay $0x3  }
0x34: {  	[smem:$0x3FB7] =	sst s10  }
0x35: {  	s10 =	sld [smem:$0x3FB6];
	_ =	sdelay $0x3  }
0x36: {  	p1 =	seq.s32 s10, $0x1;
	s10 =	sld [smem:$0x3FB7];
	_ =	sdelay $0x3  }
0x37: {  	[smem:$0x3FB7] =	sst s10  }
0x38: {  	s10 =	sld [smem:$0x3FB8]  }
0x39: {  	_ = 	snop;
	(pc) =	sbr.ind lr, $3  }
0x3a: {  	_ = 	snop  }
0x3b: {  	_ = 	snop  }
0x3c: {  	p2 =	seq.s32 s10, $0x1;
	s10 =	sld [smem:$0x3FB7]  }
0x3d: {  	_ =	shalt  }
0x3e: {  	_ =	shalt  }
0x3f: {  	_ =	shalt  }
0x40: {  	_ =	shalt  }
0x41: {  	_ =	shalt  }
0x42: {  	_ =	shalt  }
0x43: {  	_ =	shalt  }
0x44: {  	_ =	shalt  }
0x45: {  	_ =	shalt  }
0x46: {  	_ =	shalt  }
0x47: {  	_ =	shalt  }
0x48: {  	_ =	shalt  }
0x49: {  	_ =	shalt  }
0x4a: {  	_ =	shalt  }
0x4b: {  	_ =	shalt  }
0x4c: {  	_ =	shalt  }
0x4d: {  	_ =	shalt  }
0x4e: {  	_ =	shalt  }
0x4f: {  	_ =	shalt  }
0x50: {  	_ =	shalt  }
0x51: {  	_ =	shalt  }
0x52: {  	_ =	shalt  }
0x53: {  	_ =	shalt  }
0x54: {  	_ =	shalt  }
0x55: {  	_ =	shalt  }
0x56: {  	_ =	shalt  }
0x57: {  	_ =	shalt  }
0x58: {  	_ =	shalt  }
0x59: {  	_ =	shalt  }
0x5a: {  	_ =	shalt  }
0x5b: {  	_ =	shalt  }
0x5c: {  	_ =	shalt  }
0x5d: {  	_ =	shalt  }
0x5e: {  	_ =	shalt  }
0x5f: {  	_ =	shalt  }
0x60: {  	_ =	shalt  }
0x61: {  	_ =	shalt  }
0x62: {  	_ =	shalt  }
0x63: {  	_ =	shalt  }
0x64: {  	_ =	shalt  }
0x65: {  	_ =	shalt  }
0x66: {  	_ =	shalt  }
0x67: {  	_ =	shalt  }
0x68: {  	_ =	shalt  }
0x69: {  	_ =	shalt  }
0x6a: {  	_ =	shalt  }
0x6b: {  	_ =	shalt  }
0x6c: {  	_ =	shalt  }
0x6d: {  	_ =	shalt  }
0x6e: {  	_ =	shalt  }
0x6f: {  	_ =	shalt  }
0x70: {  	_ =	shalt  }
0x71: {  	_ =	shalt  }
0x72: {  	_ =	shalt  }
0x73: {  	_ =	shalt  }
0x74: {  	_ =	shalt  }
0x75: {  	_ =	shalt  }
0x76: {  	_ =	shalt  }
0x77: {  	_ =	shalt  }
0x78: {  	_ =	shalt  }
0x79: {  	_ =	shalt  }
0x7a: {  	_ =	shalt  }
0x7b: {  	_ =	shalt  }
0x7c: {  	_ =	shalt  }
0x7d: {  	_ =	shalt  }
0x7e: {  	_ =	shalt  }
0x7f: {  	_ =	shalt  }
0x80: {  	_ =	shalt  }
0x81: {  	_ =	shalt  }
0x82: {  	_ =	shalt  }
0x83: {  	_ =	shalt  }
0x84: {  	_ =	shalt  }
0x85: {  	_ =	shalt  }
0x86: {  	_ =	shalt  }
0x87: {  	_ =	shalt  }
.Lfunc_end0:
.L_simem_size_0:
called_computation_lowered:
.L_overlay_start_0:
0x88: {  	s2 =	sld [smem:$0x3FD9]  }
0x89: {  	s3 =	sld [smem:$0x3FFE];
	_ =	sdelay $0x1  }
0x8a: {  	s1 =	srdreg.scid  }
0x8b: {  	s0 =	sand.u32 $0x1, s1  }
0x8c: {  	s14 =	sshll.u32 s0, $0xA;
	s2 =	sadd.s32 s3, s2  }
0x8d: {  	s2 =	sadd.s32 s2, s14  }
0x8e: {  	[smem:$0x3FC3] =	sst s2  }
0x8f: {  	_ = 	snop  }
0x90: {  	s2 =	sld [smem:$0x3FD0]  }
0x91: {  	s15 =	sld [smem:$0x3FC9]  }
0x92: {  	s4 =	sld [smem:$0x3FC8]  }
0x93: {  	s6 =	simm.s32 $0xA;
	s7 =	simm.s32 $0x10;
	s5 =	sld [smem:$0x3FC7]  }
0x94: {  	[smem:s7], [sflag:s6] =	dma.local [hbm:s2], $0x1  }
0x95: {  	_ =	swait.eq [sflag:s6], $0x1  }
0x96: {  	[sflag:s6] =	ssyncset.done $0x0  }
0x97: {  	s16 =	sld [smem:$0x10];
	[sflag:s6] =	ssyncadd.s32 $0xFFFFFFFF  }
0x98: {  	s17 =	sld [smem:$0x13];
	(tm) =	ssettm $0x1  }
0x99: {  	s18 =	sld [smem:$0x3FFB];
	_ =	sdelay $0x3  }
0x9a: {  	_ =	strace s18  }
0x9b: {  	s7 =	sld [smem:$0x3FFC];
	_ =	sdelay $0x3  }
0x9c: {  	_ =	strace s7  }
0x9d: {  	s7 =	sld [smem:$0x3FFD];
	_ =	sdelay $0x3  }
0x9e: {  	_ =	strace s7  }
0x9f: {  	_ =	strace $0x8FFFFFFF  }
0xa0: {  	s19 =	sld [smem:$0x3FDB];
	_ =	sdelay $0x1  }
0xa1: {  	s8 =	simm.s32 $_scs_section_size  }
0xa2: {  	s9 =	simm.s32 $_size__tile_overlayer_lowered;
	s10 =	simm.s32 $_tile_overlayer_lowered  }
0xa3: {  	s22 =	simm.s32 $0x1BFF;
	s21 =	sshll.u32 s10, $0x1;
	s7 =	sadd.s32 s8, s19  }
0xa4: {  	s11 =	simm.s32 $0x0;
	s20 =	sshll.u32 s9, $0x1;
	s9 =	sadd.s32 s21, s7  }
0xa5: {  	[timem:s11], [sflag:s22] =	dma.local [hbm:s9], s20  }
0xa6: {  	_ =	swait.ge [sflag:s22], s20  }
0xa7: {  	s8 =	ssub.s32 $0x0, s20;
	[sflag:s22] =	ssyncset.done $0x0  }
0xa8: {  	[sflag:s22] =	ssyncadd.s32 s8;
	_ =	sdelay $0x1  }
0xa9: {  	s23 =	simm.s32 $0x1B8B  }
0xaa: {  	_ =	swait.ge [sflag:s23], $0x1  }
0xab: {  	[sflag:s23] =	ssyncset.done $0x0  }
0xac: {  	s25 =	simm.s32 $0x1B8E;
	s24 =	sld [smem:$0x3FFE];
	[sflag:s23] =	ssyncadd.s32 $0xFFFFFFFF  }
0xad: {  	s26 =	simm.s32 $execute0_lowered;
	[smem:$0x3FD2] =	sst s25  }
0xae: {  	s9 =	sshll.u32 s26, $0x1;
	_ =	strace $0x80000046;
	[dreg:$0x1] =	wrdreg $0xFFFFFFFF  }
0xaf: {  	s28 =	simm.s32 $_size_execute0_lowered;
	s7 =	sadd.s32 s7, s9;
	[dreg:$0x0] =	wrdreg $0x0  }
0xb0: {  	s9 =	sshll.u32 s28, $0x1;
	[dreg:$0x2] =	wrdreg s7  }
0xb1: {  	[dreg:$0x3] =	wrdreg s9  }
0xb2: {  	[dreg:$0x4] =	wrdreg $0xC0  }
0xb3: {  	_ =	task [dreg:s11], $0x5FFFF  }
0xb4: {  	[dreg:$0x1] =	wrdreg $0xFFFFFFFF  }
0xb5: {  	[dreg:$0x0] =	wrdreg $0x60  }
0xb6: {  	[dreg:$0x2] =	wrdreg s15  }
0xb7: {  	[dreg:$0x3] =	wrdreg s4  }
0xb8: {  	[dreg:$0x4] =	wrdreg s5  }
0xb9: {  	[dreg:$0x5] =	wrdreg s24  }
0xba: {  	[dreg:$0x6] =	wrdreg s16  }
0xbb: {  	[dreg:$0x7] =	wrdreg s17  }
0xbc: {  	[dreg:$0x8] =	wrdreg $0x9  }
0xbd: {  	_ =	task.clear_ibuf [dreg:s11], $0x9FFFF;
	_ =	strace $0x90000046  }
0xbe: {  	s29 =	simm.s32 $0x9;
	_ =	strace $0x80000048  }
0xbf: {  	_ =	swait.ge [sflag:s29], $0x1  }
0xc0: {  	[sflag:s29] =	ssyncadd.s32 $0xFFFFFFFF  }
0xc1: {  	_ =	strace $0x90000048  }
0xc2: {  	_ =	sfence  }
0xc3: {  	s30 =	sld [smem:$0x0];
	_ =	sdelay $0x2  }
0xc4: {  	s31 =	sshll.u32 s1, $0xD;
	s1 =	sshrl.u32 s1, $0x2  }
0xc5: {  	s3 =	sand.u32 $0x4000, s31;
	s1 =	sadd.s32 s1, s30  }
0xc6: {  	s0 =	sor.u32 s3, s0;
	s1 =	sshll.u32 s1, $0x11  }
0xc7: {  	s0 =	sor.u32 s1, s0  }
0xc8: {  	s0 =	sadd.s32 $0x8F2B, s0  }
0xc9: {  	[sflag:s0] =	ssyncadd.remote.s32 $0x1  }
0xca: {  	_ =	sfence.sel $0xFFFF  }
0xcb: {  	[dreg:$0x0] =	wrdreg $0xFFFFFFFF;
	(pc) =	sbr.abs _section_cstart, $3  }
0xcc: {  	[dreg:$0x1] =	wrdreg $0xFFFFFFFF  }
0xcd: {  	_ =	task.clear_ibuf [dreg:s11], $0x2FFFF;
	_ =	strace $0x9FFFFFFF  }
0xce: {  	(tm) =	ssettm $0x7FFFFFFF  }
0xcf: {  	_ =	shalt  }
tec
execute0_lowered:
.L_overlay_start_1:
0x0: {  	(tag) =	ssettag $0x1  }
0x1: {  	s0 =	rddreg [dreg:$0x0]  }
0x2: {  	s2 =	rddreg [dreg:$0x1]  }
0x3: {  	s5 =	rddreg [dreg:$0x2]  }
0x4: {  	s6 =	rddreg [dreg:$0x3]  }
0x5: {  	s7 =	rddreg [dreg:$0x4]  }
0x6: {  	s8 =	rddreg [dreg:$0x5];
	s1 =	simm.s32 $0x0  }
0x7: {  	s4 =	srdreg.scid;
	s9 =	stileid.u32;
	s14 =	simm.s32 $0x200  }
0x8: {  	s15 =	simm.s32 $0x400;
	s16 =	simm.s32 $0x80;
	s17 =	simm.s32 $0x600  }
0x9: {  	s18 =	simm.s32 $0x4600;
	s19 =	simm.s32 $0x8600;
	s24 =	simm.s32 $0x1  }
0xa: {  	s25 =	simm.s32 $0x4000;
	s31 =	simm.s32 $0x2;
	[smem:$0x7FF] =	sst s1  }
0xb: {  	s3 =	sadd.s32 $0xF42C00, s6;
	s4 =	sand.u32 $0x1, s4;
	s9 =	sshll.u32 s9, $0x7  }
0xc: {  	_ =	strace $0x80000047;
	s10 =	sshll.u32 s4, $0x6;
	s11 =	ssub.s32 $0x2, s4  }
0xd: {  	s4 =	sadd.s32 $0x1313600, s6;
	s12 =	sor.u32 s10, s9;
	s28 =	sshrl.u32 s11, $0x1  }
0xe: {  	s6 =	sadd.s32 s12, s6;
	s13 =	ssub.s32 s11, s28;
	s0 =	sadd.s32 s0, s12  }
0xf: {  	s29 =	sadd.s32 s2, s12;
	s30 =	sadd.s32 s5, s12;
	[dreg:$0x7] =	wrdreg s0  }
0x10: {  	s8 =	sadd.s32 s8, s12;
	s11 =	sadd.s32 s7, s12;
	[dreg:$0x8] =	wrdreg s29  }
0x11: {  	v0 =	vlaneseq.u32;
	[dreg:$0x9] =	wrdreg s30;
	s9 =	sadd.s32 $0x800, s6;
	s10 =	sadd.s32 $0x10800, s6  }
0x12: {  	v0 =	vmul.u32 $0x20, v0;
	s12 =	smax.u32 s13, $0x1;
	s13 =	simm.s32 $0x3;
	s0 =	simm.s32 $0x0  }
.LBB2_1:
0x13: {  	s2 =	rddreg [dreg:$0x7]  }
0x14: {  	[tilespmem:s1], [sflag:$0x3] =	stream.linear.gather [hbm4b:s2+s1], $0x200, $0x38;
	[tilespmem:$0x18800] =	vst v63  }
0x15: {  	_ =	swait.ge [sflag:s13], $0x200  }
0x16: {  	[sflag:s13] =	ssyncset.done $0x0  }
0x17: {  	s28 =	rddreg [dreg:$0x8];
	[sflag:s13] =	ssyncadd.s32 $0xFFFFFE00  }
0x18: {  	[tilespmem:s14], [sflag:$0x3] =	stream.linear.gather [hbm4b:s28+s1], $0x200, $0x38;
	[tilespmem:$0x18800] =	vst v63  }
0x19: {  	_ =	swait.ge [sflag:s13], $0x200  }
0x1a: {  	[sflag:s13] =	ssyncset.done $0x0  }
0x1b: {  	s5 =	rddreg [dreg:$0x9];
	[sflag:s13] =	ssyncadd.s32 $0xFFFFFE00  }
0x1c: {  	[tilespmem:s15], [sflag:$0x3] =	stream.linear.gather [hbm4b:s5+s1], $0x200, $0x38;
	[tilespmem:$0x18800] =	vst v63  }
0x1d: {  	_ =	swait.ge [sflag:s13], $0x200  }
0x1e: {  	[sflag:s13] =	ssyncset.done $0x0  }
0x1f: {  	[sflag:s13] =	ssyncadd.s32 $0xFFFFFE00  }
0x20: {  	[tilespmem:s17], [sflag:$0x1] =	stream.indirect.gather [hbm4b:s3+s16], $0x20, s1, s16, $0xb8;
	[tilespmem:$0x18800] =	vst v63  }
0x21: {  	_ = 	snop  }
0x22: {  	[tilespmem:s18], [sflag:$0x1] =	stream.indirect.gather [hbm4b:s4+s16], $0x20, s14, s16, $0xb8;
	[tilespmem:$0x18800] =	vst v63  }
0x23: {  	_ = 	snop  }
0x24: {  	[tilespmem:s19], [sflag:$0x1] =	stream.indirect.gather [hbm4b:s4+s16], $0x20, s15, s16, $0xb8;
	[tilespmem:$0x18800] =	vst v63  }
0x25: {  	s6 =	simm.s32 $0x1600  }
0x26: {  	[tilespmem:s6], [sflag:$0x1] =	stream.indirect.gather [hbm4b:s3+s16], $0x20, s16, s16, $0xb8;
	[tilespmem:$0x18800] =	vst v63  }
0x27: {  	s7 =	simm.s32 $0x280;
	s5 =	simm.s32 $0x5600  }
0x28: {  	[tilespmem:s5], [sflag:$0x1] =	stream.indirect.gather [hbm4b:s4+s16], $0x20, s7, s16, $0xb8;
	[tilespmem:$0x18800] =	vst v63  }
0x29: {  	s20 =	simm.s32 $0x480;
	s21 =	simm.s32 $0x9600  }
0x2a: {  	[tilespmem:s21], [sflag:$0x1] =	stream.indirect.gather [hbm4b:s4+s16], $0x20, s20, s16, $0xb8;
	[tilespmem:$0x18800] =	vst v63  }
0x2b: {  	s22 =	simm.s32 $0x100;
	s23 =	simm.s32 $0x2600  }
0x2c: {  	[tilespmem:s23], [sflag:$0x1] =	stream.indirect.gather [hbm4b:s3+s16], $0x20, s22, s16, $0xb8;
	[tilespmem:$0x18800] =	vst v63  }
0x2d: {  	s26 =	simm.s32 $0x300;
	s28 =	simm.s32 $0x6600  }
0x2e: {  	[tilespmem:s28], [sflag:$0x1] =	stream.indirect.gather [hbm4b:s4+s16], $0x20, s26, s16, $0xb8;
	[tilespmem:$0x18800] =	vst v63  }
0x2f: {  	s6 =	simm.s32 $0x500;
	s7 =	simm.s32 $0xA600  }
0x30: {  	[tilespmem:s7], [sflag:$0x1] =	stream.indirect.gather [hbm4b:s4+s16], $0x20, s6, s16, $0xb8;
	[tilespmem:$0x18800] =	vst v63  }
0x31: {  	s20 =	simm.s32 $0x180;
	s21 =	simm.s32 $0x3600  }
0x32: {  	[tilespmem:s21], [sflag:$0x1] =	stream.indirect.gather [hbm4b:s3+s16], $0x20, s20, s16, $0xb8;
	[tilespmem:$0x18800] =	vst v63  }
0x33: {  	s22 =	simm.s32 $0x380;
	s23 =	simm.s32 $0x7600  }
0x34: {  	[tilespmem:s23], [sflag:$0x1] =	stream.indirect.gather [hbm4b:s4+s16], $0x20, s22, s16, $0xb8;
	[tilespmem:$0x18800] =	vst v63  }
0x35: {  	s26 =	simm.s32 $0x580;
	s28 =	simm.s32 $0xB600  }
0x36: {  	[tilespmem:s28], [sflag:$0x1] =	stream.indirect.gather [hbm4b:s4+s16], $0x20, s26, s16, $0xb8;
	[tilespmem:$0x18800] =	vst v63  }
0x37: {  	_ =	swait.ge [sflag:s24], $0x1000  }
0x38: {  	[sflag:s24] =	ssyncset.done $0x0  }
0x39: {  	[sflag:s24] =	ssyncadd.s32 $0xFFFFF000  }
0x3a: {  	_ =	swait.ge [sflag:s24], $0x1000  }
0x3b: {  	[sflag:s24] =	ssyncset.done $0x0  }
0x3c: {  	[sflag:s24] =	ssyncadd.s32 $0xFFFFF000  }
0x3d: {  	_ =	swait.ge [sflag:s24], $0x1000  }
0x3e: {  	[sflag:s24] =	ssyncset.done $0x0  }
0x3f: {  	[sflag:s24] =	ssyncadd.s32 $0xFFFFF000  }
0x40: {  	_ =	swait.ge [sflag:s24], $0x1000  }
0x41: {  	[sflag:s24] =	ssyncset.done $0x0  }
0x42: {  	[sflag:s24] =	ssyncadd.s32 $0xFFFFF000  }
0x43: {  	_ =	swait.ge [sflag:s24], $0x1000  }
0x44: {  	[sflag:s24] =	ssyncset.done $0x0  }
0x45: {  	[sflag:s24] =	ssyncadd.s32 $0xFFFFF000  }
0x46: {  	_ =	swait.ge [sflag:s24], $0x1000  }
0x47: {  	[sflag:s24] =	ssyncset.done $0x0  }
0x48: {  	[sflag:s24] =	ssyncadd.s32 $0xFFFFF000  }
0x49: {  	_ =	swait.ge [sflag:s24], $0x1000  }
0x4a: {  	[sflag:s24] =	ssyncset.done $0x0  }
0x4b: {  	[sflag:s24] =	ssyncadd.s32 $0xFFFFF000  }
0x4c: {  	_ =	swait.ge [sflag:s24], $0x1000  }
0x4d: {  	[sflag:s24] =	ssyncset.done $0x0  }
0x4e: {  	[sflag:s24] =	ssyncadd.s32 $0xFFFFF000  }
0x4f: {  	_ =	swait.ge [sflag:s24], $0x1000  }
0x50: {  	[sflag:s24] =	ssyncset.done $0x0  }
0x51: {  	[sflag:s24] =	ssyncadd.s32 $0xFFFFF000  }
0x52: {  	_ =	swait.ge [sflag:s24], $0x1000  }
0x53: {  	[sflag:s24] =	ssyncset.done $0x0  }
0x54: {  	[sflag:s24] =	ssyncadd.s32 $0xFFFFF000  }
0x55: {  	_ =	swait.ge [sflag:s24], $0x1000  }
0x56: {  	[sflag:s24] =	ssyncset.done $0x0  }
0x57: {  	[sflag:s24] =	ssyncadd.s32 $0xFFFFF000  }
0x58: {  	_ =	swait.ge [sflag:s24], $0x1000  }
0x59: {  	s30 =	simm.s32 $0x10A00;
	s29 =	simm.s32 $0x14A00;
	[sflag:s24] =	ssyncset.done $0x0  }
0x5a: {  	s21 =	simm.s32 $0xCA00;
	s22 =	simm.s32 $0x0;
	[sflag:s24] =	ssyncadd.s32 $0xFFFFF000  }
.LBB2_2:
0x5b: {  	s2 =	simm.s32 $0x0  }
0x5c: {  	s23 =	sshll.u32 s22, $0x4;
	v1 =	vmov s2  }
0x5d: {  	v2 =	vmov s23;
	v1 =	vand.u32 $0x1C, v1  }
0x5e: {  	v2 =	vshll.u32 v2, $0x5;
	v3 =	vbroadcast v1, $0x0  }
0x5f: {  	v1 =	vor.u32 v0, v2  }
0x60: {  	v2 =	vor.u32 v1, v3;
	_ =	sdelay $0x2  }
0x61: {  	s7 =	simm.s32 $0x1  }
0x62: {  	v3 =	vmov s7  }
0x63: {  	v3 =	vand.u32 $0x1D, v3;
	v4 =	vld.idx.msk [tilespmem:v2+s17+$0x0], $0xffff  }
0x64: {  	v3 =	vbroadcast v3, $0x0;
	v5 =	vld.idx.msk [tilespmem:v2+s18+$0x0], $0xffff  }
0x65: {  	v2 =	vld.idx.msk [tilespmem:v2+s19+$0x0], $0xffff  }
0x66: {  	v3 =	vor.u32 v1, v3;
	_ =	sdelay $0x1  }
0x67: {  	[tilespmem:s21+$0xFFFFFC00] =	vst v4  }
0x68: {  	s20 =	simm.s32 $0x2;
	[tilespmem:s30+$0xFFFFFC00] =	vst v5  }
0x69: {  	v6 =	vmov s20;
	[tilespmem:s29+$0xFFFFFC00] =	vst v2  }
0x6a: {  	v6 =	vand.u32 $0x1E, v6;
	v7 =	vld.idx.msk [tilespmem:v3+s17+$0x0], $0xffff  }
0x6b: {  	v6 =	vbroadcast v6, $0x0;
	v8 =	vld.idx.msk [tilespmem:v3+s18+$0x0], $0xffff  }
0x6c: {  	v3 =	vld.idx.msk [tilespmem:v3+s19+$0x0], $0xffff  }
0x6d: {  	v6 =	vor.u32 v1, v6;
	_ =	sdelay $0x1  }
0x6e: {  	[tilespmem:s21+$0xFFFFFE00] =	vst v7  }
0x6f: {  	s26 =	simm.s32 $0x3;
	[tilespmem:s30+$0xFFFFFE00] =	vst v8  }
0x70: {  	v9 =	vmov s26;
	[tilespmem:s29+$0xFFFFFE00] =	vst v3  }
0x71: {  	v9 =	vand.u32 $0x1F, v9;
	v10 =	vld.idx.msk [tilespmem:v6+s17+$0x0], $0xffff  }
0x72: {  	v9 =	vbroadcast v9, $0x0;
	v11 =	vld.idx.msk [tilespmem:v6+s18+$0x0], $0xffff  }
0x73: {  	v6 =	vld.idx.msk [tilespmem:v6+s19+$0x0], $0xffff  }
0x74: {  	v9 =	vor.u32 v1, v9  }
0x75: {  	v5 =	vsub.f32 v5, v2  }
0x76: {  	[tilespmem:s21+$0x0] =	vst v10  }
0x77: {  	v4 =	vmul.f32 v5, v4;
	[tilespmem:s30+$0x0] =	vst v11  }
0x78: {  	s28 =	simm.s32 $0x4;
	v5 =	vimm.f32 $0.0e+00;
	[tilespmem:s29+$0x0] =	vst v6  }
0x79: {  	v4 =	vadd.f32 v4, v5;
	v5 =	vmov s28;
	v3 =	vsub.f32 v8, v3;
	v2 =	vld.idx.msk [tilespmem:v9+s17+$0x0], $0xffff  }
0x7a: {  	v5 =	vand.u32 $0x1C, v5;
	v63 =	vld.idx.msk [tilespmem:v9+s18+$0x0], $0xffff  }
0x7b: {  	v5 =	vbroadcast v5, $0x0;
	v3 =	vmul.f32 v3, v7;
	v7 =	vld.idx.msk [tilespmem:v9+s19+$0x0], $0xffff  }
0x7c: {  	v6 =	vsub.f32 v11, v6  }
0x7d: {  	v5 =	vor.u32 v1, v5  }
0x7e: {  	v3 =	vadd.f32 v3, v4;
	v6 =	vmul.f32 v6, v10;
	[tilespmem:s21+$0x200] =	vst v2  }
0x7f: {  	s5 =	simm.s32 $0x8;
	s26 =	sadd.s32 $0x800, s21;
	[tilespmem:s30+$0x200] =	vst v63  }
0x80: {  	s2 =	smov.u32 s30;
	s20 =	smov.u32 s29;
	s7 =	simm.s32 $0x5;
	v3 =	vadd.f32 v6, v3;
	v4 =	vsub.f32 v63, v7;
	[tilespmem:s29+$0x200] =	vst v7  }
.LBB2_3:
0x81: {  	s2 =	sadd.s32 $0x800, s2  }
0x82: {  	v6 =	vld.idx.msk [tilespmem:v5+s17+$0x0], $0xffff;
	v7 =	vmov s7;
	v2 =	vmul.f32 v4, v2;
	s20 =	sadd.s32 $0x800, s20;
	s7 =	smov.u32 s5;
	s6 =	sadd.s32 $0x4, s5  }
0x83: {  	p0 =	slt.u32 s5, $0x1C;
	v4 =	vld.idx.msk [tilespmem:v5+s18+$0x0], $0xffff;
	v7 =	vand.u32 $0x1D, v7  }
0x84: {  	v5 =	vld.idx.msk [tilespmem:v5+s19+$0x0], $0xffff;
	v7 =	vbroadcast v7, $0x0;
	v3 =	vadd.f32 v2, v3;
	_ =	sdelay $0x1  }
0x85: {  	v2 =	vor.u32 v1, v7;
	_ =	sdelay $0x1  }
0x86: {  	[tilespmem:s26+$0xFFFFFC00] =	vst v6  }
0x87: {  	[tilespmem:s2+$0xFFFFFC00] =	vst v4  }
0x88: {  	s5 =	sadd.s32 $0x2, s28;
	v4 =	vsub.f32 v4, v5;
	[tilespmem:s20+$0xFFFFFC00] =	vst v5  }
0x89: {  	v7 =	vmov s5;
	v5 =	vld.idx.msk [tilespmem:v2+s17+$0x0], $0xffff  }
0x8a: {  	v7 =	vand.u32 $0x1E, v7;
	v4 =	vmul.f32 v4, v6;
	v6 =	vld.idx.msk [tilespmem:v2+s18+$0x0], $0xffff  }
0x8b: {  	v7 =	vbroadcast v7, $0x0;
	v2 =	vld.idx.msk [tilespmem:v2+s19+$0x0], $0xffff;
	_ =	sdelay $0x1  }
0x8c: {  	v7 =	vor.u32 v1, v7;
	_ =	sdelay $0x1  }
0x8d: {  	[tilespmem:s26+$0xFFFFFE00] =	vst v5  }
0x8e: {  	[tilespmem:s2+$0xFFFFFE00] =	vst v6  }
0x8f: {  	s5 =	sadd.s32 $0x3, s28;
	s28 =	smov.u32 s7;
	[tilespmem:s20+$0xFFFFFE00] =	vst v2;
	v2 =	vsub.f32 v6, v2  }
0x90: {  	v8 =	vmov s5;
	v6 =	vld.idx.msk [tilespmem:v7+s17+$0x0], $0xffff  }
0x91: {  	v9 =	vmul.f32 v2, v5;
	v2 =	vld.idx.msk [tilespmem:v7+s18+$0x0], $0xffff;
	v5 =	vand.u32 $0x1F, v8  }
0x92: {  	v7 =	vld.idx.msk [tilespmem:v7+s19+$0x0], $0xffff;
	v5 =	vbroadcast v5, $0x0;
	_ =	sdelay $0x1  }
0x93: {  	v5 =	vor.u32 v1, v5;
	_ =	sdelay $0x1  }
0x94: {  	[tilespmem:s26+$0x0] =	vst v6  }
0x95: {  	[tilespmem:s2+$0x0] =	vst v2  }
0x96: {  	[tilespmem:s20+$0x0] =	vst v7;
	v7 =	vsub.f32 v2, v7  }
0x97: {  	v2 =	vld.idx.msk [tilespmem:v5+s17+$0x0], $0xffff  }
0x98: {  	v8 =	vmov s28;
	v6 =	vmul.f32 v7, v6;
	v7 =	vld.idx.msk [tilespmem:v5+s18+$0x0], $0xffff  }
0x99: {  	v8 =	vand.u32 $0x1C, v8;
	v10 =	vld.idx.msk [tilespmem:v5+s19+$0x0], $0xffff  }
0x9a: {  	v5 =	vbroadcast v8, $0x0;
	_ =	sdelay $0x1  }
.Ltmp0:
0x9b: {  	v3 =	vadd.f32 v4, v3;
	v5 =	vor.u32 v1, v5;
	(pc) =	sbr.rel @p0 .LBB2_3-.Ltmp0, $4  }
0x9c: {  	[tilespmem:s26+$0x200] =	vst v2  }
0x9d: {  	v3 =	vadd.f32 v9, v3;
	[tilespmem:s2+$0x200] =	vst v7  }
0x9e: {  	v4 =	vsub.f32 v7, v10;
	[tilespmem:s20+$0x200] =	vst v10  }
0x9f: {  	s7 =	sadd.s32 $0x1, s28;
	s5 =	smov.u32 s6;
	v3 =	vadd.f32 v6, v3;
	s26 =	sadd.s32 $0x800, s26  }
0xa0: {  	_ =	sdelay $0x2  }
0xa1: {  	v6 =	vmov s7  }
0xa2: {  	v7 =	vld.idx.msk [tilespmem:v5+s17+$0x0], $0xffff;
	v6 =	vand.u32 $0x1D, v6  }
0xa3: {  	v8 =	vld.idx.msk [tilespmem:v5+s18+$0x0], $0xffff;
	v6 =	vbroadcast v6, $0x0  }
0xa4: {  	v57 =	vld.idx.msk [tilespmem:v5+s19+$0x0], $0xffff  }
0xa5: {  	v6 =	vor.u32 v1, v6;
	_ =	sdelay $0x1  }
0xa6: {  	s2 =	sadd.s32 $0x800, s2;
	[tilespmem:s26+$0xFFFFFC00] =	vst v7  }
0xa7: {  	s5 =	sadd.s32 $0x800, s20;
	s6 =	sadd.s32 $0x2, s28;
	[tilespmem:s2+$0xFFFFFC00] =	vst v8  }
0xa8: {  	v9 =	vmov s6;
	[tilespmem:s5+$0xFFFFFC00] =	vst v57  }
0xa9: {  	v9 =	vand.u32 $0x1E, v9;
	v10 =	vld.idx.msk [tilespmem:v6+s17+$0x0], $0xffff  }
0xaa: {  	v9 =	vbroadcast v9, $0x0;
	v11 =	vld.idx.msk [tilespmem:v6+s18+$0x0], $0xffff  }
0xab: {  	v6 =	vld.idx.msk [tilespmem:v6+s19+$0x0], $0xffff  }
0xac: {  	v9 =	vor.u32 v1, v9;
	_ =	sdelay $0x1  }
0xad: {  	[tilespmem:s26+$0xFFFFFE00] =	vst v10  }
0xae: {  	s28 =	sadd.s32 $0x3, s28;
	[tilespmem:s2+$0xFFFFFE00] =	vst v11  }
0xaf: {  	v12 =	vmov s28;
	[tilespmem:s5+$0xFFFFFE00] =	vst v6  }
0xb0: {  	v12 =	vand.u32 $0x1F, v12;
	v13 =	vld.idx.msk [tilespmem:v9+s17+$0x0], $0xffff  }
0xb1: {  	v12 =	vbroadcast v12, $0x0;
	v14 =	vld.idx.msk [tilespmem:v9+s18+$0x0], $0xffff  }
0xb2: {  	v9 =	vld.idx.msk [tilespmem:v9+s19+$0x0], $0xffff  }
0xb3: {  	v1 =	vor.u32 v1, v12;
	_ =	sdelay $0x1  }
0xb4: {  	[tilespmem:s26+$0x0] =	vst v13  }
0xb5: {  	[tilespmem:s2+$0x0] =	vst v14  }
0xb6: {  	[tilespmem:s5+$0x0] =	vst v9  }
0xb7: {  	v2 =	vmul.f32 v4, v2;
	v58 =	vsub.f32 v8, v57;
	v59 =	vld.idx.msk [tilespmem:v1+s18+$0x0], $0xffff  }
0xb8: {  	v60 =	vld.idx.msk [tilespmem:v1+s19+$0x0], $0xffff  }
0xb9: {  	v2 =	vadd.f32 v2, v3;
	v3 =	vmul.f32 v58, v7;
	v61 =	vsub.f32 v11, v6  }
0xba: {  	v1 =	vld.idx.msk [tilespmem:v1+s17+$0x0], $0xffff  }
0xbb: {  	v2 =	vadd.f32 v3, v2;
	v4 =	vmul.f32 v61, v10;
	v62 =	vsub.f32 v14, v9;
	_ =	sdelay $0x1  }
0xbc: {  	s22 =	sadd.s32 $0x1, s22;
	v2 =	vadd.f32 v4, v2;
	v3 =	vmul.f32 v62, v13;
	v63 =	vsub.f32 v59, v60  }
0xbd: {  	p0 =	sne.s32 s22, $0x20  }
.Ltmp1:
0xbe: {  	v2 =	vadd.f32 v3, v2;
	v3 =	vmul.f32 v63, v1;
	(pc) =	sbr.rel @p0 .LBB2_2-.Ltmp1, $4  }
0xbf: {  	[tilespmem:s26+$0x200] =	vst v1  }
0xc0: {  	[tilespmem:s2+$0x200] =	vst v59;
	v1 =	vadd.f32 v3, v2  }
0xc1: {  	[tilespmem:s5+$0x200] =	vst v60  }
0xc2: {  	s30 =	sadd.s32 $0x10, s30;
	s29 =	sadd.s32 $0x10, s29;
	s21 =	sadd.s32 $0x10, s21;
	[tilespmem:s23+$0x18600] =	vst v1  }
0xc3: {  	s2 =	simm.s32 $0xC600  }
0xc4: {  	[hbm4b:s8+s14] =	stream.strided.scatter [tilespmem:s2], [sflag:$0x2], $0x4000, s25, s14, $0x38;
	[tilespmem:$0x18800] =	vst v63  }
0xc5: {  	s28 =	simm.s32 $0x10600  }
0xc6: {  	[hbm4b:s9+s14] =	stream.strided.scatter [tilespmem:s28], [sflag:$0x2], $0x4000, s25, s14, $0x38;
	[tilespmem:$0x18800] =	vst v63  }
0xc7: {  	s29 =	simm.s32 $0x14600  }
0xc8: {  	[hbm4b:s10+s14] =	stream.strided.scatter [tilespmem:s29], [sflag:$0x2], $0x4000, s25, s14, $0x38;
	[tilespmem:$0x18800] =	vst v63  }
0xc9: {  	s30 =	simm.s32 $0x18600  }
0xca: {  	[hbm4b:s11+s1] =	stream.linear.scatter [tilespmem:s30], [sflag:$0x3], $0x200, $0x38;
	[tilespmem:$0x18800] =	vst v63  }
0xcb: {  	_ =	swait.ge [sflag:s13], $0x200  }
0xcc: {  	[sflag:s13] =	ssyncset.done $0x0  }
0xcd: {  	[sflag:s13] =	ssyncadd.s32 $0xFFFFFE00  }
0xce: {  	_ =	swait.ge [sflag:s31], $0x4000  }
0xcf: {  	[sflag:s31] =	ssyncset.done $0x0  }
0xd0: {  	s0 =	sadd.s32 $0x1, s0;
	[sflag:s31] =	ssyncadd.s32 $0xFFFFC000  }
0xd1: {  	p0 =	sne.s32 s0, s12;
	_ =	swait.ge [sflag:s31], $0x4000  }
.Ltmp2:
0xd2: {  	[sflag:s31] =	ssyncset.done $0x0;
	(pc) =	sbr.rel @p0 .LBB2_1-.Ltmp2, $4  }
0xd3: {  	[sflag:s31] =	ssyncadd.s32 $0xFFFFC000  }
0xd4: {  	_ =	swait.ge [sflag:s31], $0x4000  }
0xd5: {  	[sflag:s31] =	ssyncset.done $0x0  }
0xd6: {  	[sflag:s31] =	ssyncadd.s32 $0xFFFFC000  }
0xd7: {  	_ =	sfence.sel $0x180000  }
0xd8: {  	[bflag:$0x0] =	sbarrier.arrive $0xFFFF  }
0xd9: {  	_ =	strace $0x90000047  }
0xda: {  	s0 =	stileid.u32;
	[bflag:$0x2] =	sbarrier.arrive $0xFFFF  }
0xdb: {  	p0 =	sne.s32 s0, $0x0;
	s0 =	rddreg [dreg:$0x6]  }
0xdc: {  	s0 =	sadd.s32 @!p0 $0x100000, s0  }
0xdd: {  	[sflag:s0] =	ssyncadd.tile.s32 @!p0 $0x1;
	_ =	shalt  }
.Lfunc_end2:
_tile_overlayer_lowered:
.L_overlay_start_2:
0xde: {  	(tag) =	ssettag $0x2  }
0xdf: {  	s0 =	rddreg [dreg:$0x0];
	s2 =	stileid.u32  }
0xe0: {  	s1 =	rddreg [dreg:$0x1];
	p0 =	sne.s32 s2, $0x0  }
0xe1: {  	s3 =	rddreg [dreg:$0x2];
	[bflag:$0x3] =	sbarrier.arrive $0xFFFF;
	s2 =	simm.s32 @!p0 $0x1C03  }
0xe2: {  	[timem:s3], [sflag:s2] =	dma.local @!p0 [hbm:s0], s1  }
0xe3: {  	s0 =	simm.s32 @!p0 $0x3  }
0xe4: {  	_ =	swait.ge @!p0 [sflag:s0], s1  }
0xe5: {  	s1 =	ssub.s32 @!p0 $0x0, s1;
	[sflag:s0] =	ssyncset.done @!p0 $0x0  }
0xe6: {  	[sflag:s0] =	ssyncadd.s32 @!p0 s1  }
0xe7: {  	[bflag:$0x3] =	sbarrier.arrive $0xFFFF  }
0xe8: {  	_ =	shalt  }

</sc_bundles>
